<compile_context>
chip_gen: v7x
topology: tpu7x:2x2x1
jax: 0.10.2.dev20260603
libtpu: 0.0.44.dev20260713+nightly
codegen_flags: <defaults>
</compile_context>

<pallas_src>
import functools

import jax
import jax.numpy as jnp
from jax import lax
from jax.experimental import pallas as pl
from jax.experimental.pallas import tpu as pltpu
from jax.experimental.pallas import tpu_sc as plsc

N = 10000
B = 5000
E = 160000
D = 64
EPS = 1e-9

NC, NS = 2, 16
NW = NC * NS
CHUNK = 128
CHUNKS_PER_W = 40
E_PAD = NW * CHUNKS_PER_W * CHUNK
B_PAD = 5120
ROWS_PER_TILE = B_PAD // NS

ROW_BLOCK = 2000
CB_ROWS = 1000


def _dense_body(cf_ref, tf_ref, cff_ref, ie_ref,
                cW1, cb1, cW2, cb2, cW3, cb3,
                tW1, tb1, tW2, tb2, tW3, tb3,
                cfW, cfb, Wq, Wk, Wv, out_ref):
    def norm_rows(x):
        ss = jnp.sum(x * x, axis=-1, keepdims=True)
        return x * lax.rsqrt(jnp.maximum(ss, EPS * EPS))

    def bdot(x, w):
        return jnp.dot(x.astype(jnp.bfloat16), w.astype(jnp.bfloat16),
                       preferred_element_type=jnp.float32)

    def mlp(x, W1, b1, W2, b2, W3, b3):
        h = jnp.maximum(bdot(x, W1[...]) + b1[...], 0.0)
        h = jnp.maximum(bdot(h, W2[...]) + b2[...], 0.0)
        return jnp.dot(h, W3[...], preferred_element_type=jnp.float32) + b3[...]

    c = mlp(norm_rows(cf_ref[...]), cW1, cb1, cW2, cb2, cW3, cb3)
    t = mlp(norm_rows(tf_ref[...]), tW1, tb1, tW2, tb2, tW3, tb3)
    cfl = jnp.dot(cff_ref[...], cfW[...], preferred_element_type=jnp.float32) + cfb[...]
    feats = [c, t, cfl, ie_ref[...]]
    fcat = jnp.concatenate(feats, axis=1)
    H = lax.dot_general(Wk[...], Wq[...], (((1,), (1,)), ((), ())),
                        preferred_element_type=jnp.float32)
    r4 = lax.broadcasted_iota(jnp.int32, (4 * D, 4 * D), 0)
    c4 = lax.broadcasted_iota(jnp.int32, (4 * D, 4 * D), 1)
    blkmask = (r4 // D) == (c4 // D)
    Hbd = jnp.where(blkmask, jnp.tile(H, (4, 4)), 0.0)
    Vbd = jnp.where(blkmask, jnp.tile(Wv[...], (4, 4)), 0.0)
    U = bdot(fcat, Hbd)
    V = bdot(fcat, Vbd)
    rj = lax.broadcasted_iota(jnp.int32, (4 * D, 4), 0)
    cj = lax.broadcasted_iota(jnp.int32, (4 * D, 4), 1)
    BD = ((rj // D) == cj).astype(jnp.float32)
    rE = lax.broadcasted_iota(jnp.int32, (4, 4 * D), 0)
    cE = lax.broadcasted_iota(jnp.int32, (4, 4 * D), 1)
    E4 = (rE == (cE // D)).astype(jnp.float32)
    r2 = lax.broadcasted_iota(jnp.int32, (4 * D, D), 0)
    c2 = lax.broadcasted_iota(jnp.int32, (4 * D, D), 1)
    BD2 = ((r2 % D) == c2).astype(jnp.float32)

    acc = None
    for m in range(4):
        f4 = jnp.concatenate([feats[m]] * 4, axis=1)
        s = jnp.dot(f4 * U, BD, preferred_element_type=jnp.float32) * 0.125
        mx = jnp.max(s, axis=-1, keepdims=True)
        e = jnp.exp(s - mx)
        den = jnp.sum(e, axis=-1, keepdims=True)
        attn = e / den
        w4 = jnp.dot(attn, E4, preferred_element_type=jnp.float32)
        o = jnp.dot(w4 * V, BD2, preferred_element_type=jnp.float32)
        mu = jnp.mean(o, axis=-1, keepdims=True)
        var = jnp.mean((o - mu) ** 2, axis=-1, keepdims=True)
        o = (o - mu) * lax.rsqrt(var + 1e-5)
        acc = o if acc is None else acc + o
    out_ref[...] = (acc * 0.25).astype(jnp.bfloat16)


def _dense_stage(content, text, cff, ie, weights):
    row = lambda i: (i, 0)
    full = lambda i: (0, 0)
    in_specs = [
        pl.BlockSpec((ROW_BLOCK, 256), row),
        pl.BlockSpec((ROW_BLOCK, 256), row),
        pl.BlockSpec((ROW_BLOCK, D), row),
        pl.BlockSpec((ROW_BLOCK, D), row),
    ] + [pl.BlockSpec(w.shape, full) for w in weights]
    return pl.pallas_call(
        _dense_body,
        grid=(N // ROW_BLOCK,),
        in_specs=in_specs,
        out_specs=pl.BlockSpec((ROW_BLOCK, D), row),
        out_shape=jax.ShapeDtypeStruct((N, D), jnp.bfloat16),
    )(content, text, cff, ie, *weights)


def _sc_stage(fused, iidx, bidx, ones, zagg, zdeg):
    mesh = plsc.VectorSubcoreMesh(core_axis_name="c", subcore_axis_name="s")

    @functools.partial(
        pl.kernel,
        out_type=[
            jax.ShapeDtypeStruct((NC, B_PAD, D), jnp.bfloat16),
            jax.ShapeDtypeStruct((NC, B_PAD, 16), jnp.float32),
        ],
        mesh=mesh,
        compiler_params=pltpu.CompilerParams(use_tc_tiling_on_sc=False),
        scratch_types=[
            pltpu.VMEM((CHUNKS_PER_W, CHUNK), jnp.int32),
            pltpu.VMEM((CHUNKS_PER_W, CHUNK), jnp.int32),
            pltpu.VMEM((CHUNK, D), jnp.bfloat16),
            pltpu.VMEM((CHUNK, D), jnp.bfloat16),
            pltpu.VMEM((CHUNK, 16), jnp.float32),
            pltpu.VMEM_SHARED((B_PAD, D), jnp.bfloat16),
            pltpu.VMEM_SHARED((B_PAD, 16), jnp.float32),
            pltpu.VMEM_SHARED((N, D), jnp.bfloat16),
            pltpu.SemaphoreType.DMA,
            pltpu.SemaphoreType.DMA,
            pltpu.SemaphoreType.DMA,
            pltpu.SemaphoreType.DMA,
            pltpu.SemaphoreType.DMA,
        ],
    )
    def sc_kernel(fused_hbm, iidx_hbm, bidx_hbm, ones_hbm, zagg_hbm, zdeg_hbm,
                  agg_out, deg_out, iidx_v, bidx_v, rows_a, rows_b, ones_v,
                  agg_s, deg_s, table_s, sga, sgb, ssa, ssb, so):
        c = lax.axis_index("c")
        s = lax.axis_index("s")
        w = s * NC + c
        pltpu.sync_copy(iidx_hbm.at[w], iidx_v)
        pltpu.sync_copy(bidx_hbm.at[w], bidx_v)
        pltpu.sync_copy(ones_hbm, ones_v)
        r0 = s * ROWS_PER_TILE
        pltpu.sync_copy(zagg_hbm, agg_s.at[pl.ds(r0, ROWS_PER_TILE)])
        pltpu.sync_copy(zdeg_hbm, deg_s.at[pl.ds(r0, ROWS_PER_TILE)])
        t0 = s * (N // NS)
        pltpu.sync_copy(fused_hbm.at[pl.ds(t0, N // NS)],
                        table_s.at[pl.ds(t0, N // NS)])
        plsc.subcore_barrier()

        def gather(j, buf, sem):
            return pltpu.async_copy(table_s.at[iidx_v.at[j]], buf, sem)

        def gather_wait(j, buf, sem):
            pltpu.make_async_copy(table_s.at[iidx_v.at[j]], buf, sem).wait()

        def scatter(j, buf, sem):
            return pltpu.async_copy(buf, agg_s.at[bidx_v.at[j]], sem, add=True)

        def scatter_wait(j, buf, sem):
            pltpu.make_async_copy(buf, agg_s.at[bidx_v.at[j]], sem).wait()

        def ones_scatter(j):
            return pltpu.async_copy(ones_v, deg_s.at[bidx_v.at[j]], so, add=True)

        def ones_wait(j):
            pltpu.make_async_copy(ones_v, deg_s.at[bidx_v.at[j]], so).wait()

        half = CHUNKS_PER_W // 2
        gather(0, rows_a, sga)

        def body(t, carry):
            a = 2 * t
            b = a + 1
            gather_wait(a, rows_a, sga)

            @pl.when(t > 0)
            def _():
                scatter_wait(a, rows_b, ssb)
                ones_wait(a)
                ones_wait(a)

            gather(b, rows_b, sgb)
            scatter(a, rows_a, ssa)
            ones_scatter(a)
            gather_wait(b, rows_b, sgb)

            @pl.when(t < half - 1)
            def _():
                scatter_wait(a, rows_a, ssa)
                gather(a + 2, rows_a, sga)

            scatter(b, rows_b, ssb)
            ones_scatter(b)
            return carry

        lax.fori_loop(0, half, body, 0)
        scatter_wait(0, rows_a, ssa)
        scatter_wait(0, rows_b, ssb)
        ones_wait(0)
        ones_wait(0)
        plsc.subcore_barrier()
        pltpu.sync_copy(agg_s.at[pl.ds(r0, ROWS_PER_TILE)],
                        agg_out.at[c, pl.ds(r0, ROWS_PER_TILE)])
        pltpu.sync_copy(deg_s.at[pl.ds(r0, ROWS_PER_TILE)],
                        deg_out.at[c, pl.ds(r0, ROWS_PER_TILE)])

    return sc_kernel(fused, iidx, bidx, ones, zagg, zdeg)


def _combine_body(a_ref, d_ref, o_ref):
    a = a_ref[0].astype(jnp.float32) + a_ref[1].astype(jnp.float32)
    dd = d_ref[0][:, :1] + d_ref[1][:, :1]
    o_ref[...] = a / (dd + EPS)


def _combine_stage(agg_p, deg_p):
    return pl.pallas_call(
        _combine_body,
        grid=(B // CB_ROWS,),
        in_specs=[
            pl.BlockSpec((NC, CB_ROWS, D), lambda i: (0, i, 0)),
            pl.BlockSpec((NC, CB_ROWS, 16), lambda i: (0, i, 0)),
        ],
        out_specs=pl.BlockSpec((CB_ROWS, D), lambda i: (i, 0)),
        out_shape=jax.ShapeDtypeStruct((B, D), jnp.float32),
    )(agg_p, deg_p)


def kernel(content_feature, text_feature, cf_feature, item_idx, bundle_idx,
           c_W1, c_b1, c_W2, c_b2, c_W3, c_b3,
           t_W1, t_b1, t_W2, t_b2, t_W3, t_b3,
           cf_W, cf_b, item_emb, Wq, Wk, Wv):
    weights = [
        c_W1, c_b1.reshape(1, -1), c_W2, c_b2.reshape(1, -1),
        c_W3, c_b3.reshape(1, -1),
        t_W1, t_b1.reshape(1, -1), t_W2, t_b2.reshape(1, -1),
        t_W3, t_b3.reshape(1, -1),
        cf_W, cf_b.reshape(1, -1), Wq, Wk, Wv,
    ]
    fused = _dense_stage(content_feature, text_feature, cf_feature, item_emb,
                         weights)

    pad = E_PAD - E
    iidx = jnp.concatenate(
        [item_idx.astype(jnp.int32), jnp.zeros((pad,), jnp.int32)]
    ).reshape(NW, CHUNKS_PER_W, CHUNK)
    bidx = jnp.concatenate(
        [bundle_idx.astype(jnp.int32), jnp.full((pad,), B_PAD - 1, jnp.int32)]
    ).reshape(NW, CHUNKS_PER_W, CHUNK)
    ones = jnp.ones((CHUNK, 16), jnp.float32)
    zagg = jnp.zeros((ROWS_PER_TILE, D), jnp.bfloat16)
    zdeg = jnp.zeros((ROWS_PER_TILE, 16), jnp.float32)

    agg_p, deg_p = _sc_stage(fused, iidx, bidx, ones, zagg, zdeg)
    return _combine_stage(agg_p, deg_p)

# --- scband reference (transcript-rebuilt; emitter-appended) ---
"""Pipeline reference for scband-hierachical-encoder-41996190220934 (READ-ONLY COPY).

The authoritative reference and input builder live on the scoring server;
editing this copy changes nothing except your own understanding.
"""

import jax, jax.numpy as jnp
import numpy as np

EPS = 1e-9

def _normalize(x):
    return x / jnp.maximum(jnp.linalg.norm(x, axis=-1, keepdims=True), EPS)

def _encoder(x, W1, b1, W2, b2, W3, b3):
    h = jax.nn.relu(x @ W1 + b1)
    h = jax.nn.relu(h @ W2 + b2)
    return h @ W3 + b3

def _ln(x):
    m = jnp.mean(x, axis=-1, keepdims=True)
    v = jnp.var(x, axis=-1, keepdims=True)
    return (x - m) * jax.lax.rsqrt(v + 1e-5)

def setup_inputs(seed: int = 0):
    N, B, Dc, Dt, D, E = 10000, 5000, 256, 256, 64, 160000
    key = jax.random.key(seed)
    ks = jax.random.split(key, 32)
    s = 0.02
    inp = {}
    inp['content_feature'] = jax.random.normal(ks[0], (N, Dc), jnp.float32)
    inp['text_feature'] = jax.random.normal(ks[1], (N, Dt), jnp.float32)
    inp['cf_feature'] = jax.random.normal(ks[2], (N, D), jnp.float32)
    inp['item_idx'] = jax.random.randint(ks[3], (E,), 0, N)
    inp['bundle_idx'] = jax.random.randint(ks[4], (E,), 0, B)
    inp['c_W1'] = jax.random.normal(ks[5], (Dc, Dc), jnp.float32) * s
    inp['c_b1'] = jnp.zeros((Dc,), jnp.float32)
    inp['c_W2'] = jax.random.normal(ks[6], (Dc, 256), jnp.float32) * s
    inp['c_b2'] = jnp.zeros((256,), jnp.float32)
    inp['c_W3'] = jax.random.normal(ks[7], (256, D), jnp.float32) * s
    inp['c_b3'] = jnp.zeros((D,), jnp.float32)
    inp['t_W1'] = jax.random.normal(ks[8], (Dt, Dt), jnp.float32) * s
    inp['t_b1'] = jnp.zeros((Dt,), jnp.float32)
    inp['t_W2'] = jax.random.normal(ks[9], (Dt, 256), jnp.float32) * s
    inp['t_b2'] = jnp.zeros((256,), jnp.float32)
    inp['t_W3'] = jax.random.normal(ks[10], (256, D), jnp.float32) * s
    inp['t_b3'] = jnp.zeros((D,), jnp.float32)
    inp['cf_W'] = jax.random.normal(ks[11], (D, D), jnp.float32) * s
    inp['cf_b'] = jnp.zeros((D,), jnp.float32)
    inp['item_emb'] = jax.random.normal(ks[12], (N, D), jnp.float32) * s
    inp['Wq'] = jax.random.normal(ks[13], (D, D), jnp.float32) * s
    inp['Wk'] = jax.random.normal(ks[14], (D, D), jnp.float32) * s
    inp['Wv'] = jax.random.normal(ks[15], (D, D), jnp.float32) * s
    return inp

def reference(content_feature, text_feature, cf_feature, item_idx, bundle_idx, c_W1, c_b1, c_W2, c_b2, c_W3, c_b3, t_W1, t_b1, t_W2, t_b2, t_W3, t_b3, cf_W, cf_b, item_emb, Wq, Wk, Wv):
    B = 5000
    c = _encoder(_normalize(content_feature), c_W1, c_b1, c_W2, c_b2, c_W3, c_b3)
    t = _encoder(_normalize(text_feature), t_W1, t_b1, t_W2, t_b2, t_W3, t_b3)
    cf = cf_feature @ cf_W + cf_b
    feats = jnp.stack([c, t, cf, item_emb], axis=1)
    q = feats @ Wq
    k = feats @ Wk
    v = feats @ Wv
    d = feats.shape[-1]
    attn = jax.nn.softmax(jnp.einsum('nmd,nkd->nmk', q, k) / jnp.sqrt(float(d)), axis=-1)
    fused = _ln(jnp.einsum('nmk,nkd->nmd', attn, v)).mean(axis=1)
    msgs = jnp.take(fused, item_idx, axis=0)
    agg = jax.ops.segment_sum(msgs, bundle_idx, num_segments=B)
    deg = jax.ops.segment_sum(jnp.ones((item_idx.shape[0], 1), jnp.float32), bundle_idx, num_segments=B)
    bundle_rep = agg / (deg + EPS)
    return bundle_rep

if __name__ == "__main__":
    import jax
    _d = setup_inputs()
    print(jax.jit(kernel)(*tuple(_d.values())))

</pallas_src>

<mosaic_0001>
#map = affine_map<(d0, d1) -> (0, 0)>
#map1 = affine_map<(d0, d1) -> (0, 0, 0)>
module attributes {stable_mosaic.version = 14 : i64} {
  func.func @sc_kernel(%arg0: i32, %arg1: i32, %arg2: memref<10000x64xbf16, #tpu.memory_space<hbm>>, %arg3: memref<32x40x128xi32, #tpu.memory_space<hbm>>, %arg4: memref<32x40x128xi32, #tpu.memory_space<hbm>>, %arg5: memref<128x16xf32, #tpu.memory_space<hbm>>, %arg6: memref<320x64xbf16, #tpu.memory_space<hbm>>, %arg7: memref<320x16xf32, #tpu.memory_space<hbm>>, %arg8: memref<2x5120x64xbf16, #tpu.memory_space<hbm>>, %arg9: memref<2x5120x16xf32, #tpu.memory_space<hbm>>, %arg10: memref<40x128xi32, #tpu.memory_space<vmem>>, %arg11: memref<40x128xi32, #tpu.memory_space<vmem>>, %arg12: memref<128x64xbf16, #tpu.memory_space<vmem>>, %arg13: memref<128x64xbf16, #tpu.memory_space<vmem>>, %arg14: memref<128x16xf32, #tpu.memory_space<vmem>>, %arg15: memref<5120x64xbf16, #tpu.memory_space<vmem_shared>>, %arg16: memref<5120x16xf32, #tpu.memory_space<vmem_shared>>, %arg17: memref<10000x64xbf16, #tpu.memory_space<vmem_shared>>, %arg18: memref<!tpu.dma_semaphore, #tpu.memory_space<semaphore_mem>>, %arg19: memref<!tpu.dma_semaphore, #tpu.memory_space<semaphore_mem>>, %arg20: memref<!tpu.dma_semaphore, #tpu.memory_space<semaphore_mem>>, %arg21: memref<!tpu.dma_semaphore, #tpu.memory_space<semaphore_mem>>, %arg22: memref<!tpu.dma_semaphore, #tpu.memory_space<semaphore_mem>>) attributes {dimension_semantics = [#tpu.dimension_semantics<core_parallel>, #tpu.dimension_semantics<subcore_parallel>], iteration_bounds = array<i64: 2, 16>, scalar_prefetch = 0 : i64, scratch_operands = 13 : i64, tpu.core_type = #tpu.core_type<sc_vector_subcore>, window_params = [{transform_indices = #map}, {transform_indices = #map1}, {transform_indices = #map1}, {transform_indices = #map}, {transform_indices = #map}, {transform_indices = #map}, {transform_indices = #map1}, {transform_indices = #map1}]} {
    %mul3A = arith.constant 2 : i32
    %mul3A_0 = arith.muli %arg1, %mul3A : i32
    %add3A = arith.addi %mul3A_0, %arg0 : i32
    "tpu.region"() ({
      %run_scoped3A = tpu.sem_alloc : memref<!tpu.dma_semaphore, #tpu.memory_space<semaphore_mem>>
      %dma_start3A_44 = arith.constant 0 : i32
      %dma_start3A_45 = arith.constant 0 : i32
      %dma_start3A_46 = tpu.memref_slice %arg3[%add3A, %dma_start3A_44, %dma_start3A_45] : memref<32x40x128xi32, #tpu.memory_space<hbm>> -> memref<1x40x128xi32, #tpu.memory_space<hbm>>
      %dma_start3A_47 = tpu.memref_squeeze %dma_start3A_46 : memref<1x40x128xi32, #tpu.memory_space<hbm>> -> memref<40x128xi32, #tpu.memory_space<hbm>>
      %dma_start3A_48 = arith.constant 0 : i32
      %dma_start3A_49 = arith.constant 0 : i32
      %dma_start3A_50 = tpu.memref_slice %arg3[%add3A, %dma_start3A_48, %dma_start3A_49] : memref<32x40x128xi32, #tpu.memory_space<hbm>> -> memref<1x40x128xi32, #tpu.memory_space<hbm>>
      %dma_start3A_51 = tpu.memref_squeeze %dma_start3A_50 : memref<1x40x128xi32, #tpu.memory_space<hbm>> -> memref<40x128xi32, #tpu.memory_space<hbm>>
      tpu.enqueue_dma source(%dma_start3A_51 : memref<40x128xi32, #tpu.memory_space<hbm>>) target(%arg10 : memref<40x128xi32, #tpu.memory_space<vmem>>) target_semaphore(%run_scoped3A : memref<!tpu.dma_semaphore, #tpu.memory_space<semaphore_mem>>)
      %dma_wait3A_52 = arith.constant 0 : i32
      %dma_wait3A_53 = arith.constant 0 : i32
      %dma_wait3A_54 = tpu.memref_slice %arg3[%add3A, %dma_wait3A_52, %dma_wait3A_53] : memref<32x40x128xi32, #tpu.memory_space<hbm>> -> memref<1x40x128xi32, #tpu.memory_space<hbm>>
      %dma_wait3A_55 = tpu.memref_squeeze %dma_wait3A_54 : memref<1x40x128xi32, #tpu.memory_space<hbm>> -> memref<40x128xi32, #tpu.memory_space<hbm>>
      %dma_wait3A_56 = arith.constant 0 : i32
      %dma_wait3A_57 = arith.constant 0 : i32
      %dma_wait3A_58 = tpu.memref_slice %arg3[%add3A, %dma_wait3A_56, %dma_wait3A_57] : memref<32x40x128xi32, #tpu.memory_space<hbm>> -> memref<1x40x128xi32, #tpu.memory_space<hbm>>
      %dma_wait3A_59 = tpu.memref_squeeze %dma_wait3A_58 : memref<1x40x128xi32, #tpu.memory_space<hbm>> -> memref<40x128xi32, #tpu.memory_space<hbm>>
      tpu.wait_dma2 semaphore(%run_scoped3A : memref<!tpu.dma_semaphore, #tpu.memory_space<semaphore_mem>>) src(%dma_wait3A_59 : memref<40x128xi32, #tpu.memory_space<hbm>>) dst(%arg10 : memref<40x128xi32, #tpu.memory_space<vmem>>)
      tpu.yield
    }) : () -> ()
    "tpu.region"() ({
      %run_scoped3A = tpu.sem_alloc : memref<!tpu.dma_semaphore, #tpu.memory_space<semaphore_mem>>
      %dma_start3A_44 = arith.constant 0 : i32
      %dma_start3A_45 = arith.constant 0 : i32
      %dma_start3A_46 = tpu.memref_slice %arg4[%add3A, %dma_start3A_44, %dma_start3A_45] : memref<32x40x128xi32, #tpu.memory_space<hbm>> -> memref<1x40x128xi32, #tpu.memory_space<hbm>>
      %dma_start3A_47 = tpu.memref_squeeze %dma_start3A_46 : memref<1x40x128xi32, #tpu.memory_space<hbm>> -> memref<40x128xi32, #tpu.memory_space<hbm>>
      %dma_start3A_48 = arith.constant 0 : i32
      %dma_start3A_49 = arith.constant 0 : i32
      %dma_start3A_50 = tpu.memref_slice %arg4[%add3A, %dma_start3A_48, %dma_start3A_49] : memref<32x40x128xi32, #tpu.memory_space<hbm>> -> memref<1x40x128xi32, #tpu.memory_space<hbm>>
      %dma_start3A_51 = tpu.memref_squeeze %dma_start3A_50 : memref<1x40x128xi32, #tpu.memory_space<hbm>> -> memref<40x128xi32, #tpu.memory_space<hbm>>
      tpu.enqueue_dma source(%dma_start3A_51 : memref<40x128xi32, #tpu.memory_space<hbm>>) target(%arg11 : memref<40x128xi32, #tpu.memory_space<vmem>>) target_semaphore(%run_scoped3A : memref<!tpu.dma_semaphore, #tpu.memory_space<semaphore_mem>>)
      %dma_wait3A_52 = arith.constant 0 : i32
      %dma_wait3A_53 = arith.constant 0 : i32
      %dma_wait3A_54 = tpu.memref_slice %arg4[%add3A, %dma_wait3A_52, %dma_wait3A_53] : memref<32x40x128xi32, #tpu.memory_space<hbm>> -> memref<1x40x128xi32, #tpu.memory_space<hbm>>
      %dma_wait3A_55 = tpu.memref_squeeze %dma_wait3A_54 : memref<1x40x128xi32, #tpu.memory_space<hbm>> -> memref<40x128xi32, #tpu.memory_space<hbm>>
      %dma_wait3A_56 = arith.constant 0 : i32
      %dma_wait3A_57 = arith.constant 0 : i32
      %dma_wait3A_58 = tpu.memref_slice %arg4[%add3A, %dma_wait3A_56, %dma_wait3A_57] : memref<32x40x128xi32, #tpu.memory_space<hbm>> -> memref<1x40x128xi32, #tpu.memory_space<hbm>>
      %dma_wait3A_59 = tpu.memref_squeeze %dma_wait3A_58 : memref<1x40x128xi32, #tpu.memory_space<hbm>> -> memref<40x128xi32, #tpu.memory_space<hbm>>
      tpu.wait_dma2 semaphore(%run_scoped3A : memref<!tpu.dma_semaphore, #tpu.memory_space<semaphore_mem>>) src(%dma_wait3A_59 : memref<40x128xi32, #tpu.memory_space<hbm>>) dst(%arg11 : memref<40x128xi32, #tpu.memory_space<vmem>>)
      tpu.yield
    }) : () -> ()
    "tpu.region"() ({
      %run_scoped3A = tpu.sem_alloc : memref<!tpu.dma_semaphore, #tpu.memory_space<semaphore_mem>>
      tpu.enqueue_dma source(%arg5 : memref<128x16xf32, #tpu.memory_space<hbm>>) target(%arg14 : memref<128x16xf32, #tpu.memory_space<vmem>>) target_semaphore(%run_scoped3A : memref<!tpu.dma_semaphore, #tpu.memory_space<semaphore_mem>>)
      tpu.wait_dma2 semaphore(%run_scoped3A : memref<!tpu.dma_semaphore, #tpu.memory_space<semaphore_mem>>) src(%arg5 : memref<128x16xf32, #tpu.memory_space<hbm>>) dst(%arg14 : memref<128x16xf32, #tpu.memory_space<vmem>>)
      tpu.yield
    }) : () -> ()
    %mul3A_1 = arith.constant 320 : i32
    %mul3A_2 = arith.muli %arg1, %mul3A_1 : i32
    "tpu.region"() ({
      %run_scoped3A = tpu.sem_alloc : memref<!tpu.dma_semaphore, #tpu.memory_space<semaphore_mem>>
      %dma_start3A_44 = arith.constant 0 : i32
      %dma_start3A_45 = tpu.memref_slice %arg15[%mul3A_2, %dma_start3A_44] : memref<5120x64xbf16, #tpu.memory_space<vmem_shared>> -> memref<320x64xbf16, #tpu.memory_space<vmem_shared>>
      tpu.enqueue_dma source(%arg6 : memref<320x64xbf16, #tpu.memory_space<hbm>>) target(%dma_start3A_45 : memref<320x64xbf16, #tpu.memory_space<vmem_shared>>) target_semaphore(%run_scoped3A : memref<!tpu.dma_semaphore, #tpu.memory_space<semaphore_mem>>)
      %dma_wait3A_46 = arith.constant 0 : i32
      %dma_wait3A_47 = tpu.memref_slice %arg15[%mul3A_2, %dma_wait3A_46] : memref<5120x64xbf16, #tpu.memory_space<vmem_shared>> -> memref<320x64xbf16, #tpu.memory_space<vmem_shared>>
      tpu.wait_dma2 semaphore(%run_scoped3A : memref<!tpu.dma_semaphore, #tpu.memory_space<semaphore_mem>>) src(%arg6 : memref<320x64xbf16, #tpu.memory_space<hbm>>) dst(%dma_wait3A_47 : memref<320x64xbf16, #tpu.memory_space<vmem_shared>>)
      tpu.yield
    }) : () -> ()
    "tpu.region"() ({
      %run_scoped3A = tpu.sem_alloc : memref<!tpu.dma_semaphore, #tpu.memory_space<semaphore_mem>>
      %dma_start3A_44 = arith.constant 0 : i32
      %dma_start3A_45 = tpu.memref_slice %arg16[%mul3A_2, %dma_start3A_44] : memref<5120x16xf32, #tpu.memory_space<vmem_shared>> -> memref<320x16xf32, #tpu.memory_space<vmem_shared>>
      tpu.enqueue_dma source(%arg7 : memref<320x16xf32, #tpu.memory_space<hbm>>) target(%dma_start3A_45 : memref<320x16xf32, #tpu.memory_space<vmem_shared>>) target_semaphore(%run_scoped3A : memref<!tpu.dma_semaphore, #tpu.memory_space<semaphore_mem>>)
      %dma_wait3A_46 = arith.constant 0 : i32
      %dma_wait3A_47 = tpu.memref_slice %arg16[%mul3A_2, %dma_wait3A_46] : memref<5120x16xf32, #tpu.memory_space<vmem_shared>> -> memref<320x16xf32, #tpu.memory_space<vmem_shared>>
      tpu.wait_dma2 semaphore(%run_scoped3A : memref<!tpu.dma_semaphore, #tpu.memory_space<semaphore_mem>>) src(%arg7 : memref<320x16xf32, #tpu.memory_space<hbm>>) dst(%dma_wait3A_47 : memref<320x16xf32, #tpu.memory_space<vmem_shared>>)
      tpu.yield
    }) : () -> ()
    %mul3A_3 = arith.constant 625 : i32
    %mul3A_4 = arith.muli %arg1, %mul3A_3 : i32
    "tpu.region"() ({
      %run_scoped3A = tpu.sem_alloc : memref<!tpu.dma_semaphore, #tpu.memory_space<semaphore_mem>>
      %dma_start3A_44 = arith.constant 0 : i32
      %dma_start3A_45 = tpu.memref_slice %arg17[%mul3A_4, %dma_start3A_44] : memref<10000x64xbf16, #tpu.memory_space<vmem_shared>> -> memref<625x64xbf16, #tpu.memory_space<vmem_shared>>
      %dma_start3A_46 = arith.constant 0 : i32
      %dma_start3A_47 = tpu.memref_slice %arg2[%mul3A_4, %dma_start3A_46] : memref<10000x64xbf16, #tpu.memory_space<hbm>> -> memref<625x64xbf16, #tpu.memory_space<hbm>>
      tpu.enqueue_dma source(%dma_start3A_47 : memref<625x64xbf16, #tpu.memory_space<hbm>>) target(%dma_start3A_45 : memref<625x64xbf16, #tpu.memory_space<vmem_shared>>) target_semaphore(%run_scoped3A : memref<!tpu.dma_semaphore, #tpu.memory_space<semaphore_mem>>)
      %dma_wait3A_48 = arith.constant 0 : i32
      %dma_wait3A_49 = tpu.memref_slice %arg17[%mul3A_4, %dma_wait3A_48] : memref<10000x64xbf16, #tpu.memory_space<vmem_shared>> -> memref<625x64xbf16, #tpu.memory_space<vmem_shared>>
      %dma_wait3A_50 = arith.constant 0 : i32
      %dma_wait3A_51 = tpu.memref_slice %arg2[%mul3A_4, %dma_wait3A_50] : memref<10000x64xbf16, #tpu.memory_space<hbm>> -> memref<625x64xbf16, #tpu.memory_space<hbm>>
      tpu.wait_dma2 semaphore(%run_scoped3A : memref<!tpu.dma_semaphore, #tpu.memory_space<semaphore_mem>>) src(%dma_wait3A_51 : memref<625x64xbf16, #tpu.memory_space<hbm>>) dst(%dma_wait3A_49 : memref<625x64xbf16, #tpu.memory_space<vmem_shared>>)
      tpu.yield
    }) : () -> ()
    %barrier3A = arith.constant 0 : index
    tpu.barrier barrier_id(%barrier3A)
    %dma_start3A = arith.constant 0 : i32
    %dma_start3A_5 = arith.constant 0 : i32
    %dma_start3A_6 = tpu.memref_slice %arg10[%dma_start3A, %dma_start3A_5] : memref<40x128xi32, #tpu.memory_space<vmem>> -> memref<1x128xi32, #tpu.memory_space<vmem>>
    %dma_start3A_7 = tpu.memref_squeeze %dma_start3A_6 : memref<1x128xi32, #tpu.memory_space<vmem>> -> memref<128xi32, #tpu.memory_space<vmem>>
    %dma_start3A_8 = arith.constant 0 : i32
    %dma_start3A_9 = arith.constant 0 : i32
    %dma_start3A_10 = tpu.memref_slice %arg17[%dma_start3A_8, %dma_start3A_9] : memref<10000x64xbf16, #tpu.memory_space<vmem_shared>> -> memref<10000x64xbf16, #tpu.memory_space<vmem_shared>>
    tpu.enqueue_indirect_dma source(%dma_start3A_10 : memref<10000x64xbf16, #tpu.memory_space<vmem_shared>>) target(%arg12 : memref<128x64xbf16, #tpu.memory_space<vmem>>) offsets(%dma_start3A_7 : memref<128xi32, #tpu.memory_space<vmem>>) semaphore(%arg18 : memref<!tpu.dma_semaphore, #tpu.memory_space<semaphore_mem>>)
    %scan3A = arith.constant 0 : i32
    %scan3A_11 = arith.constant 0 : i32
    %scan3A_12 = arith.constant 20 : i32
    %scan3A_13 = arith.addi %scan3A_11, %scan3A_12 : i32
    %scan3A_14 = arith.constant 1 : i32
    scf.for %scan3A_44 = %scan3A_11 to %scan3A_13 step %scan3A_14  : i32 {
      %mul3A_45 = arith.constant 2 : i32
      %mul3A_46 = arith.muli %mul3A_45, %scan3A_44 : i32
      %add3A_47 = arith.constant 1 : i32
      %add3A_48 = arith.addi %mul3A_46, %add3A_47 : i32
      %dma_wait3A_49 = arith.constant 0 : i32
      %dma_wait3A_50 = tpu.memref_slice %arg10[%mul3A_46, %dma_wait3A_49] : memref<40x128xi32, #tpu.memory_space<vmem>> -> memref<1x128xi32, #tpu.memory_space<vmem>>
      %dma_wait3A_51 = tpu.memref_squeeze %dma_wait3A_50 : memref<1x128xi32, #tpu.memory_space<vmem>> -> memref<128xi32, #tpu.memory_space<vmem>>
      %dma_wait3A_52 = arith.constant 0 : i32
      %dma_wait3A_53 = arith.constant 0 : i32
      %dma_wait3A_54 = tpu.memref_slice %arg17[%dma_wait3A_52, %dma_wait3A_53] : memref<10000x64xbf16, #tpu.memory_space<vmem_shared>> -> memref<10000x64xbf16, #tpu.memory_space<vmem_shared>>
      tpu.wait_indirect_dma semaphore(%arg18 : memref<!tpu.dma_semaphore, #tpu.memory_space<semaphore_mem>>) src(%dma_wait3A_54 : memref<10000x64xbf16, #tpu.memory_space<vmem_shared>>) dst(%arg12 : memref<128x64xbf16, #tpu.memory_space<vmem>>)
      %gt3A = arith.constant 0 : i32
      %gt3A_55 = arith.cmpi sgt, %scan3A_44, %gt3A : i32
      %convert_element_type3A = arith.extui %gt3A_55 : i1 to i32
      %cond3A = arith.constant 0 : i32
      %cond3A_56 = arith.cmpi ne, %convert_element_type3A, %cond3A : i32
      scf.if %cond3A_56 {
        %dma_wait3A_97 = arith.constant 0 : i32
        %dma_wait3A_98 = tpu.memref_slice %arg11[%mul3A_46, %dma_wait3A_97] : memref<40x128xi32, #tpu.memory_space<vmem>> -> memref<1x128xi32, #tpu.memory_space<vmem>>
        %dma_wait3A_99 = tpu.memref_squeeze %dma_wait3A_98 : memref<1x128xi32, #tpu.memory_space<vmem>> -> memref<128xi32, #tpu.memory_space<vmem>>
        %dma_wait3A_100 = arith.constant 0 : i32
        %dma_wait3A_101 = arith.constant 0 : i32
        %dma_wait3A_102 = tpu.memref_slice %arg15[%dma_wait3A_100, %dma_wait3A_101] : memref<5120x64xbf16, #tpu.memory_space<vmem_shared>> -> memref<5120x64xbf16, #tpu.memory_space<vmem_shared>>
        tpu.wait_indirect_dma semaphore(%arg21 : memref<!tpu.dma_semaphore, #tpu.memory_space<semaphore_mem>>) src(%arg13 : memref<128x64xbf16, #tpu.memory_space<vmem>>) dst(%dma_wait3A_102 : memref<5120x64xbf16, #tpu.memory_space<vmem_shared>>)
        %dma_wait3A_103 = arith.constant 0 : i32
        %dma_wait3A_104 = tpu.memref_slice %arg11[%mul3A_46, %dma_wait3A_103] : memref<40x128xi32, #tpu.memory_space<vmem>> -> memref<1x128xi32, #tpu.memory_space<vmem>>
        %dma_wait3A_105 = tpu.memref_squeeze %dma_wait3A_104 : memref<1x128xi32, #tpu.memory_space<vmem>> -> memref<128xi32, #tpu.memory_space<vmem>>
        %dma_wait3A_106 = arith.constant 0 : i32
        %dma_wait3A_107 = arith.constant 0 : i32
        %dma_wait3A_108 = tpu.memref_slice %arg16[%dma_wait3A_106, %dma_wait3A_107] : memref<5120x16xf32, #tpu.memory_space<vmem_shared>> -> memref<5120x16xf32, #tpu.memory_space<vmem_shared>>
        tpu.wait_indirect_dma semaphore(%arg22 : memref<!tpu.dma_semaphore, #tpu.memory_space<semaphore_mem>>) src(%arg14 : memref<128x16xf32, #tpu.memory_space<vmem>>) dst(%dma_wait3A_108 : memref<5120x16xf32, #tpu.memory_space<vmem_shared>>)
        %dma_wait3A_109 = arith.constant 0 : i32
        %dma_wait3A_110 = tpu.memref_slice %arg11[%mul3A_46, %dma_wait3A_109] : memref<40x128xi32, #tpu.memory_space<vmem>> -> memref<1x128xi32, #tpu.memory_space<vmem>>
        %dma_wait3A_111 = tpu.memref_squeeze %dma_wait3A_110 : memref<1x128xi32, #tpu.memory_space<vmem>> -> memref<128xi32, #tpu.memory_space<vmem>>
        %dma_wait3A_112 = arith.constant 0 : i32
        %dma_wait3A_113 = arith.constant 0 : i32
        %dma_wait3A_114 = tpu.memref_slice %arg16[%dma_wait3A_112, %dma_wait3A_113] : memref<5120x16xf32, #tpu.memory_space<vmem_shared>> -> memref<5120x16xf32, #tpu.memory_space<vmem_shared>>
        tpu.wait_indirect_dma semaphore(%arg22 : memref<!tpu.dma_semaphore, #tpu.memory_space<semaphore_mem>>) src(%arg14 : memref<128x16xf32, #tpu.memory_space<vmem>>) dst(%dma_wait3A_114 : memref<5120x16xf32, #tpu.memory_space<vmem_shared>>)
      } else {
      }
      %dma_start3A_57 = arith.constant 0 : i32
      %dma_start3A_58 = tpu.memref_slice %arg10[%add3A_48, %dma_start3A_57] : memref<40x128xi32, #tpu.memory_space<vmem>> -> memref<1x128xi32, #tpu.memory_space<vmem>>
      %dma_start3A_59 = tpu.memref_squeeze %dma_start3A_58 : memref<1x128xi32, #tpu.memory_space<vmem>> -> memref<128xi32, #tpu.memory_space<vmem>>
      %dma_start3A_60 = arith.constant 0 : i32
      %dma_start3A_61 = arith.constant 0 : i32
      %dma_start3A_62 = tpu.memref_slice %arg17[%dma_start3A_60, %dma_start3A_61] : memref<10000x64xbf16, #tpu.memory_space<vmem_shared>> -> memref<10000x64xbf16, #tpu.memory_space<vmem_shared>>
      tpu.enqueue_indirect_dma source(%dma_start3A_62 : memref<10000x64xbf16, #tpu.memory_space<vmem_shared>>) target(%arg13 : memref<128x64xbf16, #tpu.memory_space<vmem>>) offsets(%dma_start3A_59 : memref<128xi32, #tpu.memory_space<vmem>>) semaphore(%arg19 : memref<!tpu.dma_semaphore, #tpu.memory_space<semaphore_mem>>)
      %dma_start3A_63 = arith.constant 0 : i32
      %dma_start3A_64 = tpu.memref_slice %arg11[%mul3A_46, %dma_start3A_63] : memref<40x128xi32, #tpu.memory_space<vmem>> -> memref<1x128xi32, #tpu.memory_space<vmem>>
      %dma_start3A_65 = tpu.memref_squeeze %dma_start3A_64 : memref<1x128xi32, #tpu.memory_space<vmem>> -> memref<128xi32, #tpu.memory_space<vmem>>
      %dma_start3A_66 = arith.constant 0 : i32
      %dma_start3A_67 = arith.constant 0 : i32
      %dma_start3A_68 = tpu.memref_slice %arg15[%dma_start3A_66, %dma_start3A_67] : memref<5120x64xbf16, #tpu.memory_space<vmem_shared>> -> memref<5120x64xbf16, #tpu.memory_space<vmem_shared>>
      tpu.enqueue_indirect_dma source(%arg12 : memref<128x64xbf16, #tpu.memory_space<vmem>>) target(%dma_start3A_68 : memref<5120x64xbf16, #tpu.memory_space<vmem_shared>>) offsets(%dma_start3A_65 : memref<128xi32, #tpu.memory_space<vmem>>) semaphore(%arg20 : memref<!tpu.dma_semaphore, #tpu.memory_space<semaphore_mem>>) {add = true}
      %dma_start3A_69 = arith.constant 0 : i32
      %dma_start3A_70 = tpu.memref_slice %arg11[%mul3A_46, %dma_start3A_69] : memref<40x128xi32, #tpu.memory_space<vmem>> -> memref<1x128xi32, #tpu.memory_space<vmem>>
      %dma_start3A_71 = tpu.memref_squeeze %dma_start3A_70 : memref<1x128xi32, #tpu.memory_space<vmem>> -> memref<128xi32, #tpu.memory_space<vmem>>
      %dma_start3A_72 = arith.constant 0 : i32
      %dma_start3A_73 = arith.constant 0 : i32
      %dma_start3A_74 = tpu.memref_slice %arg16[%dma_start3A_72, %dma_start3A_73] : memref<5120x16xf32, #tpu.memory_space<vmem_shared>> -> memref<5120x16xf32, #tpu.memory_space<vmem_shared>>
      tpu.enqueue_indirect_dma source(%arg14 : memref<128x16xf32, #tpu.memory_space<vmem>>) target(%dma_start3A_74 : memref<5120x16xf32, #tpu.memory_space<vmem_shared>>) offsets(%dma_start3A_71 : memref<128xi32, #tpu.memory_space<vmem>>) semaphore(%arg22 : memref<!tpu.dma_semaphore, #tpu.memory_space<semaphore_mem>>) {add = true}
      %dma_wait3A_75 = arith.constant 0 : i32
      %dma_wait3A_76 = tpu.memref_slice %arg10[%add3A_48, %dma_wait3A_75] : memref<40x128xi32, #tpu.memory_space<vmem>> -> memref<1x128xi32, #tpu.memory_space<vmem>>
      %dma_wait3A_77 = tpu.memref_squeeze %dma_wait3A_76 : memref<1x128xi32, #tpu.memory_space<vmem>> -> memref<128xi32, #tpu.memory_space<vmem>>
      %dma_wait3A_78 = arith.constant 0 : i32
      %dma_wait3A_79 = arith.constant 0 : i32
      %dma_wait3A_80 = tpu.memref_slice %arg17[%dma_wait3A_78, %dma_wait3A_79] : memref<10000x64xbf16, #tpu.memory_space<vmem_shared>> -> memref<10000x64xbf16, #tpu.memory_space<vmem_shared>>
      tpu.wait_indirect_dma semaphore(%arg19 : memref<!tpu.dma_semaphore, #tpu.memory_space<semaphore_mem>>) src(%dma_wait3A_80 : memref<10000x64xbf16, #tpu.memory_space<vmem_shared>>) dst(%arg13 : memref<128x64xbf16, #tpu.memory_space<vmem>>)
      %lt3A = arith.constant 19 : i32
      %lt3A_81 = arith.cmpi slt, %scan3A_44, %lt3A : i32
      %convert_element_type3A_82 = arith.extui %lt3A_81 : i1 to i32
      %cond3A_83 = arith.constant 0 : i32
      %cond3A_84 = arith.cmpi ne, %convert_element_type3A_82, %cond3A_83 : i32
      scf.if %cond3A_84 {
        %dma_wait3A_97 = arith.constant 0 : i32
        %dma_wait3A_98 = tpu.memref_slice %arg11[%mul3A_46, %dma_wait3A_97] : memref<40x128xi32, #tpu.memory_space<vmem>> -> memref<1x128xi32, #tpu.memory_space<vmem>>
        %dma_wait3A_99 = tpu.memref_squeeze %dma_wait3A_98 : memref<1x128xi32, #tpu.memory_space<vmem>> -> memref<128xi32, #tpu.memory_space<vmem>>
        %dma_wait3A_100 = arith.constant 0 : i32
        %dma_wait3A_101 = arith.constant 0 : i32
        %dma_wait3A_102 = tpu.memref_slice %arg15[%dma_wait3A_100, %dma_wait3A_101] : memref<5120x64xbf16, #tpu.memory_space<vmem_shared>> -> memref<5120x64xbf16, #tpu.memory_space<vmem_shared>>
        tpu.wait_indirect_dma semaphore(%arg20 : memref<!tpu.dma_semaphore, #tpu.memory_space<semaphore_mem>>) src(%arg12 : memref<128x64xbf16, #tpu.memory_space<vmem>>) dst(%dma_wait3A_102 : memref<5120x64xbf16, #tpu.memory_space<vmem_shared>>)
        %add3A_103 = arith.constant 2 : i32
        %add3A_104 = arith.addi %mul3A_46, %add3A_103 : i32
        %dma_start3A_105 = arith.constant 0 : i32
        %dma_start3A_106 = tpu.memref_slice %arg10[%add3A_104, %dma_start3A_105] : memref<40x128xi32, #tpu.memory_space<vmem>> -> memref<1x128xi32, #tpu.memory_space<vmem>>
        %dma_start3A_107 = tpu.memref_squeeze %dma_start3A_106 : memref<1x128xi32, #tpu.memory_space<vmem>> -> memref<128xi32, #tpu.memory_space<vmem>>
        %dma_start3A_108 = arith.constant 0 : i32
        %dma_start3A_109 = arith.constant 0 : i32
        %dma_start3A_110 = tpu.memref_slice %arg17[%dma_start3A_108, %dma_start3A_109] : memref<10000x64xbf16, #tpu.memory_space<vmem_shared>> -> memref<10000x64xbf16, #tpu.memory_space<vmem_shared>>
        tpu.enqueue_indirect_dma source(%dma_start3A_110 : memref<10000x64xbf16, #tpu.memory_space<vmem_shared>>) target(%arg12 : memref<128x64xbf16, #tpu.memory_space<vmem>>) offsets(%dma_start3A_107 : memref<128xi32, #tpu.memory_space<vmem>>) semaphore(%arg18 : memref<!tpu.dma_semaphore, #tpu.memory_space<semaphore_mem>>)
      } else {
      }
      %dma_start3A_85 = arith.constant 0 : i32
      %dma_start3A_86 = tpu.memref_slice %arg11[%add3A_48, %dma_start3A_85] : memref<40x128xi32, #tpu.memory_space<vmem>> -> memref<1x128xi32, #tpu.memory_space<vmem>>
      %dma_start3A_87 = tpu.memref_squeeze %dma_start3A_86 : memref<1x128xi32, #tpu.memory_space<vmem>> -> memref<128xi32, #tpu.memory_space<vmem>>
      %dma_start3A_88 = arith.constant 0 : i32
      %dma_start3A_89 = arith.constant 0 : i32
      %dma_start3A_90 = tpu.memref_slice %arg15[%dma_start3A_88, %dma_start3A_89] : memref<5120x64xbf16, #tpu.memory_space<vmem_shared>> -> memref<5120x64xbf16, #tpu.memory_space<vmem_shared>>
      tpu.enqueue_indirect_dma source(%arg13 : memref<128x64xbf16, #tpu.memory_space<vmem>>) target(%dma_start3A_90 : memref<5120x64xbf16, #tpu.memory_space<vmem_shared>>) offsets(%dma_start3A_87 : memref<128xi32, #tpu.memory_space<vmem>>) semaphore(%arg21 : memref<!tpu.dma_semaphore, #tpu.memory_space<semaphore_mem>>) {add = true}
      %dma_start3A_91 = arith.constant 0 : i32
      %dma_start3A_92 = tpu.memref_slice %arg11[%add3A_48, %dma_start3A_91] : memref<40x128xi32, #tpu.memory_space<vmem>> -> memref<1x128xi32, #tpu.memory_space<vmem>>
      %dma_start3A_93 = tpu.memref_squeeze %dma_start3A_92 : memref<1x128xi32, #tpu.memory_space<vmem>> -> memref<128xi32, #tpu.memory_space<vmem>>
      %dma_start3A_94 = arith.constant 0 : i32
      %dma_start3A_95 = arith.constant 0 : i32
      %dma_start3A_96 = tpu.memref_slice %arg16[%dma_start3A_94, %dma_start3A_95] : memref<5120x16xf32, #tpu.memory_space<vmem_shared>> -> memref<5120x16xf32, #tpu.memory_space<vmem_shared>>
      tpu.enqueue_indirect_dma source(%arg14 : memref<128x16xf32, #tpu.memory_space<vmem>>) target(%dma_start3A_96 : memref<5120x16xf32, #tpu.memory_space<vmem_shared>>) offsets(%dma_start3A_93 : memref<128xi32, #tpu.memory_space<vmem>>) semaphore(%arg22 : memref<!tpu.dma_semaphore, #tpu.memory_space<semaphore_mem>>) {add = true}
    }
    %scan3A_15 = arith.constant 20 : i32
    %dma_wait3A = arith.constant 0 : i32
    %dma_wait3A_16 = arith.constant 0 : i32
    %dma_wait3A_17 = tpu.memref_slice %arg11[%dma_wait3A, %dma_wait3A_16] : memref<40x128xi32, #tpu.memory_space<vmem>> -> memref<1x128xi32, #tpu.memory_space<vmem>>
    %dma_wait3A_18 = tpu.memref_squeeze %dma_wait3A_17 : memref<1x128xi32, #tpu.memory_space<vmem>> -> memref<128xi32, #tpu.memory_space<vmem>>
    %dma_wait3A_19 = arith.constant 0 : i32
    %dma_wait3A_20 = arith.constant 0 : i32
    %dma_wait3A_21 = tpu.memref_slice %arg15[%dma_wait3A_19, %dma_wait3A_20] : memref<5120x64xbf16, #tpu.memory_space<vmem_shared>> -> memref<5120x64xbf16, #tpu.memory_space<vmem_shared>>
    tpu.wait_indirect_dma semaphore(%arg20 : memref<!tpu.dma_semaphore, #tpu.memory_space<semaphore_mem>>) src(%arg12 : memref<128x64xbf16, #tpu.memory_space<vmem>>) dst(%dma_wait3A_21 : memref<5120x64xbf16, #tpu.memory_space<vmem_shared>>)
    %dma_wait3A_22 = arith.constant 0 : i32
    %dma_wait3A_23 = arith.constant 0 : i32
    %dma_wait3A_24 = tpu.memref_slice %arg11[%dma_wait3A_22, %dma_wait3A_23] : memref<40x128xi32, #tpu.memory_space<vmem>> -> memref<1x128xi32, #tpu.memory_space<vmem>>
    %dma_wait3A_25 = tpu.memref_squeeze %dma_wait3A_24 : memref<1x128xi32, #tpu.memory_space<vmem>> -> memref<128xi32, #tpu.memory_space<vmem>>
    %dma_wait3A_26 = arith.constant 0 : i32
    %dma_wait3A_27 = arith.constant 0 : i32
    %dma_wait3A_28 = tpu.memref_slice %arg15[%dma_wait3A_26, %dma_wait3A_27] : memref<5120x64xbf16, #tpu.memory_space<vmem_shared>> -> memref<5120x64xbf16, #tpu.memory_space<vmem_shared>>
    tpu.wait_indirect_dma semaphore(%arg21 : memref<!tpu.dma_semaphore, #tpu.memory_space<semaphore_mem>>) src(%arg13 : memref<128x64xbf16, #tpu.memory_space<vmem>>) dst(%dma_wait3A_28 : memref<5120x64xbf16, #tpu.memory_space<vmem_shared>>)
    %dma_wait3A_29 = arith.constant 0 : i32
    %dma_wait3A_30 = arith.constant 0 : i32
    %dma_wait3A_31 = tpu.memref_slice %arg11[%dma_wait3A_29, %dma_wait3A_30] : memref<40x128xi32, #tpu.memory_space<vmem>> -> memref<1x128xi32, #tpu.memory_space<vmem>>
    %dma_wait3A_32 = tpu.memref_squeeze %dma_wait3A_31 : memref<1x128xi32, #tpu.memory_space<vmem>> -> memref<128xi32, #tpu.memory_space<vmem>>
    %dma_wait3A_33 = arith.constant 0 : i32
    %dma_wait3A_34 = arith.constant 0 : i32
    %dma_wait3A_35 = tpu.memref_slice %arg16[%dma_wait3A_33, %dma_wait3A_34] : memref<5120x16xf32, #tpu.memory_space<vmem_shared>> -> memref<5120x16xf32, #tpu.memory_space<vmem_shared>>
    tpu.wait_indirect_dma semaphore(%arg22 : memref<!tpu.dma_semaphore, #tpu.memory_space<semaphore_mem>>) src(%arg14 : memref<128x16xf32, #tpu.memory_space<vmem>>) dst(%dma_wait3A_35 : memref<5120x16xf32, #tpu.memory_space<vmem_shared>>)
    %dma_wait3A_36 = arith.constant 0 : i32
    %dma_wait3A_37 = arith.constant 0 : i32
    %dma_wait3A_38 = tpu.memref_slice %arg11[%dma_wait3A_36, %dma_wait3A_37] : memref<40x128xi32, #tpu.memory_space<vmem>> -> memref<1x128xi32, #tpu.memory_space<vmem>>
    %dma_wait3A_39 = tpu.memref_squeeze %dma_wait3A_38 : memref<1x128xi32, #tpu.memory_space<vmem>> -> memref<128xi32, #tpu.memory_space<vmem>>
    %dma_wait3A_40 = arith.constant 0 : i32
    %dma_wait3A_41 = arith.constant 0 : i32
    %dma_wait3A_42 = tpu.memref_slice %arg16[%dma_wait3A_40, %dma_wait3A_41] : memref<5120x16xf32, #tpu.memory_space<vmem_shared>> -> memref<5120x16xf32, #tpu.memory_space<vmem_shared>>
    tpu.wait_indirect_dma semaphore(%arg22 : memref<!tpu.dma_semaphore, #tpu.memory_space<semaphore_mem>>) src(%arg14 : memref<128x16xf32, #tpu.memory_space<vmem>>) dst(%dma_wait3A_42 : memref<5120x16xf32, #tpu.memory_space<vmem_shared>>)
    %barrier3A_43 = arith.constant 0 : index
    tpu.barrier barrier_id(%barrier3A_43)
    "tpu.region"() ({
      %run_scoped3A = tpu.sem_alloc : memref<!tpu.dma_semaphore, #tpu.memory_space<semaphore_mem>>
      %dma_start3A_44 = arith.constant 0 : i32
      %dma_start3A_45 = tpu.memref_slice %arg8[%arg0, %mul3A_2, %dma_start3A_44] : memref<2x5120x64xbf16, #tpu.memory_space<hbm>> -> memref<1x320x64xbf16, #tpu.memory_space<hbm>>
      %dma_start3A_46 = tpu.memref_squeeze %dma_start3A_45 : memref<1x320x64xbf16, #tpu.memory_space<hbm>> -> memref<320x64xbf16, #tpu.memory_space<hbm>>
      %dma_start3A_47 = arith.constant 0 : i32
      %dma_start3A_48 = tpu.memref_slice %arg15[%mul3A_2, %dma_start3A_47] : memref<5120x64xbf16, #tpu.memory_space<vmem_shared>> -> memref<320x64xbf16, #tpu.memory_space<vmem_shared>>
      tpu.enqueue_dma source(%dma_start3A_48 : memref<320x64xbf16, #tpu.memory_space<vmem_shared>>) target(%dma_start3A_46 : memref<320x64xbf16, #tpu.memory_space<hbm>>) target_semaphore(%run_scoped3A : memref<!tpu.dma_semaphore, #tpu.memory_space<semaphore_mem>>)
      %dma_wait3A_49 = arith.constant 0 : i32
      %dma_wait3A_50 = tpu.memref_slice %arg8[%arg0, %mul3A_2, %dma_wait3A_49] : memref<2x5120x64xbf16, #tpu.memory_space<hbm>> -> memref<1x320x64xbf16, #tpu.memory_space<hbm>>
      %dma_wait3A_51 = tpu.memref_squeeze %dma_wait3A_50 : memref<1x320x64xbf16, #tpu.memory_space<hbm>> -> memref<320x64xbf16, #tpu.memory_space<hbm>>
      %dma_wait3A_52 = arith.constant 0 : i32
      %dma_wait3A_53 = tpu.memref_slice %arg15[%mul3A_2, %dma_wait3A_52] : memref<5120x64xbf16, #tpu.memory_space<vmem_shared>> -> memref<320x64xbf16, #tpu.memory_space<vmem_shared>>
      tpu.wait_dma2 semaphore(%run_scoped3A : memref<!tpu.dma_semaphore, #tpu.memory_space<semaphore_mem>>) src(%dma_wait3A_53 : memref<320x64xbf16, #tpu.memory_space<vmem_shared>>) dst(%dma_wait3A_51 : memref<320x64xbf16, #tpu.memory_space<hbm>>)
      tpu.yield
    }) : () -> ()
    "tpu.region"() ({
      %run_scoped3A = tpu.sem_alloc : memref<!tpu.dma_semaphore, #tpu.memory_space<semaphore_mem>>
      %dma_start3A_44 = arith.constant 0 : i32
      %dma_start3A_45 = tpu.memref_slice %arg9[%arg0, %mul3A_2, %dma_start3A_44] : memref<2x5120x16xf32, #tpu.memory_space<hbm>> -> memref<1x320x16xf32, #tpu.memory_space<hbm>>
      %dma_start3A_46 = tpu.memref_squeeze %dma_start3A_45 : memref<1x320x16xf32, #tpu.memory_space<hbm>> -> memref<320x16xf32, #tpu.memory_space<hbm>>
      %dma_start3A_47 = arith.constant 0 : i32
      %dma_start3A_48 = tpu.memref_slice %arg16[%mul3A_2, %dma_start3A_47] : memref<5120x16xf32, #tpu.memory_space<vmem_shared>> -> memref<320x16xf32, #tpu.memory_space<vmem_shared>>
      tpu.enqueue_dma source(%dma_start3A_48 : memref<320x16xf32, #tpu.memory_space<vmem_shared>>) target(%dma_start3A_46 : memref<320x16xf32, #tpu.memory_space<hbm>>) target_semaphore(%run_scoped3A : memref<!tpu.dma_semaphore, #tpu.memory_space<semaphore_mem>>)
      %dma_wait3A_49 = arith.constant 0 : i32
      %dma_wait3A_50 = tpu.memref_slice %arg9[%arg0, %mul3A_2, %dma_wait3A_49] : memref<2x5120x16xf32, #tpu.memory_space<hbm>> -> memref<1x320x16xf32, #tpu.memory_space<hbm>>
      %dma_wait3A_51 = tpu.memref_squeeze %dma_wait3A_50 : memref<1x320x16xf32, #tpu.memory_space<hbm>> -> memref<320x16xf32, #tpu.memory_space<hbm>>
      %dma_wait3A_52 = arith.constant 0 : i32
      %dma_wait3A_53 = tpu.memref_slice %arg16[%mul3A_2, %dma_wait3A_52] : memref<5120x16xf32, #tpu.memory_space<vmem_shared>> -> memref<320x16xf32, #tpu.memory_space<vmem_shared>>
      tpu.wait_dma2 semaphore(%run_scoped3A : memref<!tpu.dma_semaphore, #tpu.memory_space<semaphore_mem>>) src(%dma_wait3A_53 : memref<320x16xf32, #tpu.memory_space<vmem_shared>>) dst(%dma_wait3A_51 : memref<320x16xf32, #tpu.memory_space<hbm>>)
      tpu.yield
    }) : () -> ()
    return
  }
}

module attributes {stable_mosaic.version = 14 : i64} {
  func.func @_dense_body(%arg0: i32, %arg1: memref<2000x256xf32, #tpu.memory_space<vmem>>, %arg2: memref<2000x256xf32, #tpu.memory_space<vmem>>, %arg3: memref<2000x64xf32, #tpu.memory_space<vmem>>, %arg4: memref<2000x64xf32, #tpu.memory_space<vmem>>, %arg5: memref<256x256xf32, #tpu.memory_space<vmem>>, %arg6: memref<1x256xf32, #tpu.memory_space<vmem>>, %arg7: memref<256x256xf32, #tpu.memory_space<vmem>>, %arg8: memref<1x256xf32, #tpu.memory_space<vmem>>, %arg9: memref<256x64xf32, #tpu.memory_space<vmem>>, %arg10: memref<1x64xf32, #tpu.memory_space<vmem>>, %arg11: memref<256x256xf32, #tpu.memory_space<vmem>>, %arg12: memref<1x256xf32, #tpu.memory_space<vmem>>, %arg13: memref<256x256xf32, #tpu.memory_space<vmem>>, %arg14: memref<1x256xf32, #tpu.memory_space<vmem>>, %arg15: memref<256x64xf32, #tpu.memory_space<vmem>>, %arg16: memref<1x64xf32, #tpu.memory_space<vmem>>, %arg17: memref<64x64xf32, #tpu.memory_space<vmem>>, %arg18: memref<1x64xf32, #tpu.memory_space<vmem>>, %arg19: memref<64x64xf32, #tpu.memory_space<vmem>>, %arg20: memref<64x64xf32, #tpu.memory_space<vmem>>, %arg21: memref<64x64xf32, #tpu.memory_space<vmem>>, %arg22: memref<2000x64xbf16, #tpu.memory_space<vmem>>) attributes {dimension_semantics = [#tpu.dimension_semantics<arbitrary>], iteration_bounds = array<i64: 5>, scalar_prefetch = 0 : i64, scratch_operands = 0 : i64, tpu.core_type = #tpu.core_type<tc>, window_params = [{transform_indices = @transform_0, window_bounds = array<i64: 2000, 256>}, {transform_indices = @transform_1, window_bounds = array<i64: 2000, 256>}, {transform_indices = @transform_2, window_bounds = array<i64: 2000, 64>}, {transform_indices = @transform_3, window_bounds = array<i64: 2000, 64>}, {pipeline_mode = #tpu.pipeline_mode<synchronous>, transform_indices = @transform_4, window_bounds = array<i64: 256, 256>}, {pipeline_mode = #tpu.pipeline_mode<synchronous>, transform_indices = @transform_5, window_bounds = array<i64: 1, 256>}, {pipeline_mode = #tpu.pipeline_mode<synchronous>, transform_indices = @transform_6, window_bounds = array<i64: 256, 256>}, {pipeline_mode = #tpu.pipeline_mode<synchronous>, transform_indices = @transform_7, window_bounds = array<i64: 1, 256>}, {pipeline_mode = #tpu.pipeline_mode<synchronous>, transform_indices = @transform_8, window_bounds = array<i64: 256, 64>}, {pipeline_mode = #tpu.pipeline_mode<synchronous>, transform_indices = @transform_9, window_bounds = array<i64: 1, 64>}, {pipeline_mode = #tpu.pipeline_mode<synchronous>, transform_indices = @transform_10, window_bounds = array<i64: 256, 256>}, {pipeline_mode = #tpu.pipeline_mode<synchronous>, transform_indices = @transform_11, window_bounds = array<i64: 1, 256>}, {pipeline_mode = #tpu.pipeline_mode<synchronous>, transform_indices = @transform_12, window_bounds = array<i64: 256, 256>}, {pipeline_mode = #tpu.pipeline_mode<synchronous>, transform_indices = @transform_13, window_bounds = array<i64: 1, 256>}, {pipeline_mode = #tpu.pipeline_mode<synchronous>, transform_indices = @transform_14, window_bounds = array<i64: 256, 64>}, {pipeline_mode = #tpu.pipeline_mode<synchronous>, transform_indices = @transform_15, window_bounds = array<i64: 1, 64>}, {pipeline_mode = #tpu.pipeline_mode<synchronous>, transform_indices = @transform_16, window_bounds = array<i64: 64, 64>}, {pipeline_mode = #tpu.pipeline_mode<synchronous>, transform_indices = @transform_17, window_bounds = array<i64: 1, 64>}, {pipeline_mode = #tpu.pipeline_mode<synchronous>, transform_indices = @transform_18, window_bounds = array<i64: 64, 64>}, {pipeline_mode = #tpu.pipeline_mode<synchronous>, transform_indices = @transform_19, window_bounds = array<i64: 64, 64>}, {pipeline_mode = #tpu.pipeline_mode<synchronous>, transform_indices = @transform_20, window_bounds = array<i64: 64, 64>}, {transform_indices = @transform_21, window_bounds = array<i64: 2000, 64>}]} {
    %get3A = arith.constant 0 : index
    %get3A_0 = arith.constant 0 : index
    %get3A_1 = vector.load %arg1[%get3A, %get3A_0] : memref<2000x256xf32, #tpu.memory_space<vmem>>, vector<2000x256xf32>
    %mul3A = arith.mulf %get3A_1, %get3A_1 : vector<2000x256xf32>
    %reduce_sum3A = arith.constant dense<0.000000e+00> : vector<2000xf32>
    %reduce_sum3A_2 = vector.multi_reduction <add>, %mul3A, %reduce_sum3A [1] : vector<2000x256xf32> to vector<2000xf32>
    %broadcast_in_dim3A = vector.shape_cast %reduce_sum3A_2 : vector<2000xf32> to vector<2000x1xf32>
    %max3A = arith.constant 1.000000e-18 : f32
    %max3A_3 = vector.broadcast %max3A : f32 to vector<2000x1xf32>
    %max3A_4 = arith.maximumf %broadcast_in_dim3A, %max3A_3 : vector<2000x1xf32>
    %rsqrt3A = math.rsqrt %max3A_4 : vector<2000x1xf32>
    %mul3A_5 = vector.broadcast %rsqrt3A : vector<2000x1xf32> to vector<2000x256xf32>
    %mul3A_6 = arith.mulf %get3A_1, %mul3A_5 : vector<2000x256xf32>
    %get3A_7 = arith.constant 0 : index
    %get3A_8 = arith.constant 0 : index
    %get3A_9 = vector.load %arg5[%get3A_7, %get3A_8] : memref<256x256xf32, #tpu.memory_space<vmem>>, vector<256x256xf32>
    %convert_element_type3A = arith.truncf %mul3A_6 : vector<2000x256xf32> to vector<2000x256xbf16>
    %convert_element_type3A_10 = arith.truncf %get3A_9 : vector<256x256xf32> to vector<256x256xbf16>
    %dot_general3A = arith.constant dense<0.000000e+00> : vector<2000x256xf32>
    %dot_general3A_11 = tpu.matmul %convert_element_type3A, %convert_element_type3A_10, %dot_general3A {dimension_numbers = #tpu.dot_dimension_numbers<[1], [0], [0], [1], [0, 0, 1, 1], [], []>, transpose_lhs_hint = false} : vector<2000x256xbf16>, vector<256x256xbf16>, vector<2000x256xf32> -> vector<2000x256xf32>
    %get3A_12 = arith.constant 0 : index
    %get3A_13 = arith.constant 0 : index
    %get3A_14 = vector.load %arg6[%get3A_12, %get3A_13] : memref<1x256xf32, #tpu.memory_space<vmem>>, vector<1x256xf32>
    %add3A = vector.broadcast %get3A_14 : vector<1x256xf32> to vector<2000x256xf32>
    %add3A_15 = arith.addf %dot_general3A_11, %add3A : vector<2000x256xf32>
    %max3A_16 = arith.constant 0.000000e+00 : f32
    %max3A_17 = vector.broadcast %max3A_16 : f32 to vector<2000x256xf32>
    %max3A_18 = arith.maximumf %add3A_15, %max3A_17 : vector<2000x256xf32>
    %get3A_19 = arith.constant 0 : index
    %get3A_20 = arith.constant 0 : index
    %get3A_21 = vector.load %arg7[%get3A_19, %get3A_20] : memref<256x256xf32, #tpu.memory_space<vmem>>, vector<256x256xf32>
    %convert_element_type3A_22 = arith.truncf %max3A_18 : vector<2000x256xf32> to vector<2000x256xbf16>
    %convert_element_type3A_23 = arith.truncf %get3A_21 : vector<256x256xf32> to vector<256x256xbf16>
    %dot_general3A_24 = arith.constant dense<0.000000e+00> : vector<2000x256xf32>
    %dot_general3A_25 = tpu.matmul %convert_element_type3A_22, %convert_element_type3A_23, %dot_general3A_24 {dimension_numbers = #tpu.dot_dimension_numbers<[1], [0], [0], [1], [0, 0, 1, 1], [], []>, transpose_lhs_hint = false} : vector<2000x256xbf16>, vector<256x256xbf16>, vector<2000x256xf32> -> vector<2000x256xf32>
    %get3A_26 = arith.constant 0 : index
    %get3A_27 = arith.constant 0 : index
    %get3A_28 = vector.load %arg8[%get3A_26, %get3A_27] : memref<1x256xf32, #tpu.memory_space<vmem>>, vector<1x256xf32>
    %add3A_29 = vector.broadcast %get3A_28 : vector<1x256xf32> to vector<2000x256xf32>
    %add3A_30 = arith.addf %dot_general3A_25, %add3A_29 : vector<2000x256xf32>
    %max3A_31 = arith.constant 0.000000e+00 : f32
    %max3A_32 = vector.broadcast %max3A_31 : f32 to vector<2000x256xf32>
    %max3A_33 = arith.maximumf %add3A_30, %max3A_32 : vector<2000x256xf32>
    %get3A_34 = arith.constant 0 : index
    %get3A_35 = arith.constant 0 : index
    %get3A_36 = vector.load %arg9[%get3A_34, %get3A_35] : memref<256x64xf32, #tpu.memory_space<vmem>>, vector<256x64xf32>
    %dot_general3A_37 = arith.constant dense<0.000000e+00> : vector<2000x64xf32>
    %dot_general3A_38 = tpu.matmul %max3A_33, %get3A_36, %dot_general3A_37 {dimension_numbers = #tpu.dot_dimension_numbers<[1], [0], [0], [1], [0, 0, 1, 1], [], []>, transpose_lhs_hint = false} : vector<2000x256xf32>, vector<256x64xf32>, vector<2000x64xf32> -> vector<2000x64xf32>
    %get3A_39 = arith.constant 0 : index
    %get3A_40 = arith.constant 0 : index
    %get3A_41 = vector.load %arg10[%get3A_39, %get3A_40] : memref<1x64xf32, #tpu.memory_space<vmem>>, vector<1x64xf32>
    %add3A_42 = vector.broadcast %get3A_41 : vector<1x64xf32> to vector<2000x64xf32>
    %add3A_43 = arith.addf %dot_general3A_38, %add3A_42 : vector<2000x64xf32>
    %get3A_44 = arith.constant 0 : index
    %get3A_45 = arith.constant 0 : index
    %get3A_46 = vector.load %arg2[%get3A_44, %get3A_45] : memref<2000x256xf32, #tpu.memory_space<vmem>>, vector<2000x256xf32>
    %mul3A_47 = arith.mulf %get3A_46, %get3A_46 : vector<2000x256xf32>
    %reduce_sum3A_48 = arith.constant dense<0.000000e+00> : vector<2000xf32>
    %reduce_sum3A_49 = vector.multi_reduction <add>, %mul3A_47, %reduce_sum3A_48 [1] : vector<2000x256xf32> to vector<2000xf32>
    %broadcast_in_dim3A_50 = vector.shape_cast %reduce_sum3A_49 : vector<2000xf32> to vector<2000x1xf32>
    %max3A_51 = arith.constant 1.000000e-18 : f32
    %max3A_52 = vector.broadcast %max3A_51 : f32 to vector<2000x1xf32>
    %max3A_53 = arith.maximumf %broadcast_in_dim3A_50, %max3A_52 : vector<2000x1xf32>
    %rsqrt3A_54 = math.rsqrt %max3A_53 : vector<2000x1xf32>
    %mul3A_55 = vector.broadcast %rsqrt3A_54 : vector<2000x1xf32> to vector<2000x256xf32>
    %mul3A_56 = arith.mulf %get3A_46, %mul3A_55 : vector<2000x256xf32>
    %get3A_57 = arith.constant 0 : index
    %get3A_58 = arith.constant 0 : index
    %get3A_59 = vector.load %arg11[%get3A_57, %get3A_58] : memref<256x256xf32, #tpu.memory_space<vmem>>, vector<256x256xf32>
    %convert_element_type3A_60 = arith.truncf %mul3A_56 : vector<2000x256xf32> to vector<2000x256xbf16>
    %convert_element_type3A_61 = arith.truncf %get3A_59 : vector<256x256xf32> to vector<256x256xbf16>
    %dot_general3A_62 = arith.constant dense<0.000000e+00> : vector<2000x256xf32>
    %dot_general3A_63 = tpu.matmul %convert_element_type3A_60, %convert_element_type3A_61, %dot_general3A_62 {dimension_numbers = #tpu.dot_dimension_numbers<[1], [0], [0], [1], [0, 0, 1, 1], [], []>, transpose_lhs_hint = false} : vector<2000x256xbf16>, vector<256x256xbf16>, vector<2000x256xf32> -> vector<2000x256xf32>
    %get3A_64 = arith.constant 0 : index
    %get3A_65 = arith.constant 0 : index
    %get3A_66 = vector.load %arg12[%get3A_64, %get3A_65] : memref<1x256xf32, #tpu.memory_space<vmem>>, vector<1x256xf32>
    %add3A_67 = vector.broadcast %get3A_66 : vector<1x256xf32> to vector<2000x256xf32>
    %add3A_68 = arith.addf %dot_general3A_63, %add3A_67 : vector<2000x256xf32>
    %max3A_69 = arith.constant 0.000000e+00 : f32
    %max3A_70 = vector.broadcast %max3A_69 : f32 to vector<2000x256xf32>
    %max3A_71 = arith.maximumf %add3A_68, %max3A_70 : vector<2000x256xf32>
    %get3A_72 = arith.constant 0 : index
    %get3A_73 = arith.constant 0 : index
    %get3A_74 = vector.load %arg13[%get3A_72, %get3A_73] : memref<256x256xf32, #tpu.memory_space<vmem>>, vector<256x256xf32>
    %convert_element_type3A_75 = arith.truncf %max3A_71 : vector<2000x256xf32> to vector<2000x256xbf16>
    %convert_element_type3A_76 = arith.truncf %get3A_74 : vector<256x256xf32> to vector<256x256xbf16>
    %dot_general3A_77 = arith.constant dense<0.000000e+00> : vector<2000x256xf32>
    %dot_general3A_78 = tpu.matmul %convert_element_type3A_75, %convert_element_type3A_76, %dot_general3A_77 {dimension_numbers = #tpu.dot_dimension_numbers<[1], [0], [0], [1], [0, 0, 1, 1], [], []>, transpose_lhs_hint = false} : vector<2000x256xbf16>, vector<256x256xbf16>, vector<2000x256xf32> -> vector<2000x256xf32>
    %get3A_79 = arith.constant 0 : index
    %get3A_80 = arith.constant 0 : index
    %get3A_81 = vector.load %arg14[%get3A_79, %get3A_80] : memref<1x256xf32, #tpu.memory_space<vmem>>, vector<1x256xf32>
    %add3A_82 = vector.broadcast %get3A_81 : vector<1x256xf32> to vector<2000x256xf32>
    %add3A_83 = arith.addf %dot_general3A_78, %add3A_82 : vector<2000x256xf32>
    %max3A_84 = arith.constant 0.000000e+00 : f32
    %max3A_85 = vector.broadcast %max3A_84 : f32 to vector<2000x256xf32>
    %max3A_86 = arith.maximumf %add3A_83, %max3A_85 : vector<2000x256xf32>
    %get3A_87 = arith.constant 0 : index
    %get3A_88 = arith.constant 0 : index
    %get3A_89 = vector.load %arg15[%get3A_87, %get3A_88] : memref<256x64xf32, #tpu.memory_space<vmem>>, vector<256x64xf32>
    %dot_general3A_90 = arith.constant dense<0.000000e+00> : vector<2000x64xf32>
    %dot_general3A_91 = tpu.matmul %max3A_86, %get3A_89, %dot_general3A_90 {dimension_numbers = #tpu.dot_dimension_numbers<[1], [0], [0], [1], [0, 0, 1, 1], [], []>, transpose_lhs_hint = false} : vector<2000x256xf32>, vector<256x64xf32>, vector<2000x64xf32> -> vector<2000x64xf32>
    %get3A_92 = arith.constant 0 : index
    %get3A_93 = arith.constant 0 : index
    %get3A_94 = vector.load %arg16[%get3A_92, %get3A_93] : memref<1x64xf32, #tpu.memory_space<vmem>>, vector<1x64xf32>
    %add3A_95 = vector.broadcast %get3A_94 : vector<1x64xf32> to vector<2000x64xf32>
    %add3A_96 = arith.addf %dot_general3A_91, %add3A_95 : vector<2000x64xf32>
    %get3A_97 = arith.constant 0 : index
    %get3A_98 = arith.constant 0 : index
    %get3A_99 = vector.load %arg3[%get3A_97, %get3A_98] : memref<2000x64xf32, #tpu.memory_space<vmem>>, vector<2000x64xf32>
    %get3A_100 = arith.constant 0 : index
    %get3A_101 = arith.constant 0 : index
    %get3A_102 = vector.load %arg17[%get3A_100, %get3A_101] : memref<64x64xf32, #tpu.memory_space<vmem>>, vector<64x64xf32>
    %dot_general3A_103 = arith.constant dense<0.000000e+00> : vector<2000x64xf32>
    %dot_general3A_104 = tpu.matmul %get3A_99, %get3A_102, %dot_general3A_103 {dimension_numbers = #tpu.dot_dimension_numbers<[1], [0], [0], [1], [0, 0, 1, 1], [], []>, transpose_lhs_hint = false} : vector<2000x64xf32>, vector<64x64xf32>, vector<2000x64xf32> -> vector<2000x64xf32>
    %get3A_105 = arith.constant 0 : index
    %get3A_106 = arith.constant 0 : index
    %get3A_107 = vector.load %arg18[%get3A_105, %get3A_106] : memref<1x64xf32, #tpu.memory_space<vmem>>, vector<1x64xf32>
    %add3A_108 = vector.broadcast %get3A_107 : vector<1x64xf32> to vector<2000x64xf32>
    %add3A_109 = arith.addf %dot_general3A_104, %add3A_108 : vector<2000x64xf32>
    %get3A_110 = arith.constant 0 : index
    %get3A_111 = arith.constant 0 : index
    %get3A_112 = vector.load %arg4[%get3A_110, %get3A_111] : memref<2000x64xf32, #tpu.memory_space<vmem>>, vector<2000x64xf32>
    %concatenate3A = tpu.concatenate %add3A_43, %add3A_96, %add3A_109, %get3A_112 in 1 : vector<2000x64xf32>, vector<2000x64xf32>, vector<2000x64xf32>, vector<2000x64xf32> -> vector<2000x256xf32>
    %get3A_113 = arith.constant 0 : index
    %get3A_114 = arith.constant 0 : index
    %get3A_115 = vector.load %arg20[%get3A_113, %get3A_114] : memref<64x64xf32, #tpu.memory_space<vmem>>, vector<64x64xf32>
    %get3A_116 = arith.constant 0 : index
    %get3A_117 = arith.constant 0 : index
    %get3A_118 = vector.load %arg19[%get3A_116, %get3A_117] : memref<64x64xf32, #tpu.memory_space<vmem>>, vector<64x64xf32>
    %dot_general3A_119 = arith.constant dense<0.000000e+00> : vector<64x64xf32>
    %dot_general3A_120 = tpu.matmul %get3A_115, %get3A_118, %dot_general3A_119 {dimension_numbers = #tpu.dot_dimension_numbers<[1], [1], [0], [0], [0, 0, 1, 0], [], []>, transpose_lhs_hint = false} : vector<64x64xf32>, vector<64x64xf32>, vector<64x64xf32> -> vector<64x64xf32>
    %iota3A = tpu.iota {dimensions = array<i32: 0>} : vector<256x256xi32>
    %iota3A_121 = tpu.iota {dimensions = array<i32: 1>} : vector<256x256xi32>
    %jit3A = arith.constant 64 : i32
    %div3A = vector.broadcast %jit3A : i32 to vector<256x256xi32>
    %div3A_122 = arith.divsi %iota3A, %div3A : vector<256x256xi32>
    %sign3A = arith.constant 0 : i32
    %sign3A_123 = vector.broadcast %sign3A : i32 to vector<256x256xi32>
    %sign3A_124 = arith.cmpi sgt, %iota3A, %sign3A_123 : vector<256x256xi32>
    %sign3A_125 = arith.extui %sign3A_124 : vector<256x256xi1> to vector<256x256xi32>
    %sign3A_126 = arith.constant 0 : i32
    %sign3A_127 = vector.broadcast %sign3A_126 : i32 to vector<256x256xi32>
    %sign3A_128 = arith.cmpi slt, %iota3A, %sign3A_127 : vector<256x256xi32>
    %sign3A_129 = arith.extui %sign3A_128 : vector<256x256xi1> to vector<256x256xi32>
    %sign3A_130 = arith.subi %sign3A_125, %sign3A_129 : vector<256x256xi32>
    %sign3A_131 = arith.constant 0 : i32
    %sign3A_132 = arith.cmpi sgt, %jit3A, %sign3A_131 : i32
    %sign3A_133 = arith.extui %sign3A_132 : i1 to i32
    %sign3A_134 = arith.constant 0 : i32
    %sign3A_135 = arith.cmpi slt, %jit3A, %sign3A_134 : i32
    %sign3A_136 = arith.extui %sign3A_135 : i1 to i32
    %sign3A_137 = arith.subi %sign3A_133, %sign3A_136 : i32
    %ne3A = vector.broadcast %sign3A_137 : i32 to vector<256x256xi32>
    %ne3A_138 = arith.cmpi ne, %sign3A_130, %ne3A : vector<256x256xi32>
    %rem3A = vector.broadcast %jit3A : i32 to vector<256x256xi32>
    %rem3A_139 = arith.remsi %iota3A, %rem3A : vector<256x256xi32>
    %ne3A_140 = arith.constant 0 : i32
    %ne3A_141 = vector.broadcast %ne3A_140 : i32 to vector<256x256xi32>
    %ne3A_142 = arith.cmpi ne, %rem3A_139, %ne3A_141 : vector<256x256xi32>
    %and3A = arith.andi %ne3A_138, %ne3A_142 : vector<256x256xi1>
    %sub3A = arith.constant 1 : i32
    %sub3A_143 = vector.broadcast %sub3A : i32 to vector<256x256xi32>
    %sub3A_144 = arith.subi %div3A_122, %sub3A_143 : vector<256x256xi32>
    %select_n3A = arith.select %and3A, %sub3A_144, %div3A_122 : vector<256x256xi1>, vector<256x256xi32>
    %jit3A_145 = arith.constant 64 : i32
    %div3A_146 = vector.broadcast %jit3A_145 : i32 to vector<256x256xi32>
    %div3A_147 = arith.divsi %iota3A_121, %div3A_146 : vector<256x256xi32>
    %sign3A_148 = arith.constant 0 : i32
    %sign3A_149 = vector.broadcast %sign3A_148 : i32 to vector<256x256xi32>
    %sign3A_150 = arith.cmpi sgt, %iota3A_121, %sign3A_149 : vector<256x256xi32>
    %sign3A_151 = arith.extui %sign3A_150 : vector<256x256xi1> to vector<256x256xi32>
    %sign3A_152 = arith.constant 0 : i32
    %sign3A_153 = vector.broadcast %sign3A_152 : i32 to vector<256x256xi32>
    %sign3A_154 = arith.cmpi slt, %iota3A_121, %sign3A_153 : vector<256x256xi32>
    %sign3A_155 = arith.extui %sign3A_154 : vector<256x256xi1> to vector<256x256xi32>
    %sign3A_156 = arith.subi %sign3A_151, %sign3A_155 : vector<256x256xi32>
    %sign3A_157 = arith.constant 0 : i32
    %sign3A_158 = arith.cmpi sgt, %jit3A_145, %sign3A_157 : i32
    %sign3A_159 = arith.extui %sign3A_158 : i1 to i32
    %sign3A_160 = arith.constant 0 : i32
    %sign3A_161 = arith.cmpi slt, %jit3A_145, %sign3A_160 : i32
    %sign3A_162 = arith.extui %sign3A_161 : i1 to i32
    %sign3A_163 = arith.subi %sign3A_159, %sign3A_162 : i32
    %ne3A_164 = vector.broadcast %sign3A_163 : i32 to vector<256x256xi32>
    %ne3A_165 = arith.cmpi ne, %sign3A_156, %ne3A_164 : vector<256x256xi32>
    %rem3A_166 = vector.broadcast %jit3A_145 : i32 to vector<256x256xi32>
    %rem3A_167 = arith.remsi %iota3A_121, %rem3A_166 : vector<256x256xi32>
    %ne3A_168 = arith.constant 0 : i32
    %ne3A_169 = vector.broadcast %ne3A_168 : i32 to vector<256x256xi32>
    %ne3A_170 = arith.cmpi ne, %rem3A_167, %ne3A_169 : vector<256x256xi32>
    %and3A_171 = arith.andi %ne3A_165, %ne3A_170 : vector<256x256xi1>
    %sub3A_172 = arith.constant 1 : i32
    %sub3A_173 = vector.broadcast %sub3A_172 : i32 to vector<256x256xi32>
    %sub3A_174 = arith.subi %div3A_147, %sub3A_173 : vector<256x256xi32>
    %select_n3A_175 = arith.select %and3A_171, %sub3A_174, %div3A_147 : vector<256x256xi1>, vector<256x256xi32>
    %eq3A = arith.cmpi eq, %select_n3A, %select_n3A_175 : vector<256x256xi32>
    %tile3A = tpu.concatenate %dot_general3A_120, %dot_general3A_120, %dot_general3A_120, %dot_general3A_120 in 0 : vector<64x64xf32>, vector<64x64xf32>, vector<64x64xf32>, vector<64x64xf32> -> vector<256x64xf32>
    %tile3A_176 = tpu.concatenate %tile3A, %tile3A, %tile3A, %tile3A in 1 : vector<256x64xf32>, vector<256x64xf32>, vector<256x64xf32>, vector<256x64xf32> -> vector<256x256xf32>
    %jit3A_177 = arith.constant 0.000000e+00 : f32
    %broadcast_in_dim3A_178 = vector.broadcast %jit3A_177 : f32 to vector<256x256xf32>
    %select_n3A_179 = arith.select %eq3A, %tile3A_176, %broadcast_in_dim3A_178 : vector<256x256xi1>, vector<256x256xf32>
    %get3A_180 = arith.constant 0 : index
    %get3A_181 = arith.constant 0 : index
    %get3A_182 = vector.load %arg21[%get3A_180, %get3A_181] : memref<64x64xf32, #tpu.memory_space<vmem>>, vector<64x64xf32>
    %tile3A_183 = tpu.concatenate %get3A_182, %get3A_182, %get3A_182, %get3A_182 in 0 : vector<64x64xf32>, vector<64x64xf32>, vector<64x64xf32>, vector<64x64xf32> -> vector<256x64xf32>
    %tile3A_184 = tpu.concatenate %tile3A_183, %tile3A_183, %tile3A_183, %tile3A_183 in 1 : vector<256x64xf32>, vector<256x64xf32>, vector<256x64xf32>, vector<256x64xf32> -> vector<256x256xf32>
    %jit3A_185 = arith.constant 0.000000e+00 : f32
    %broadcast_in_dim3A_186 = vector.broadcast %jit3A_185 : f32 to vector<256x256xf32>
    %select_n3A_187 = arith.select %eq3A, %tile3A_184, %broadcast_in_dim3A_186 : vector<256x256xi1>, vector<256x256xf32>
    %convert_element_type3A_188 = arith.truncf %concatenate3A : vector<2000x256xf32> to vector<2000x256xbf16>
    %convert_element_type3A_189 = arith.truncf %select_n3A_179 : vector<256x256xf32> to vector<256x256xbf16>
    %dot_general3A_190 = arith.constant dense<0.000000e+00> : vector<2000x256xf32>
    %dot_general3A_191 = tpu.matmul %convert_element_type3A_188, %convert_element_type3A_189, %dot_general3A_190 {dimension_numbers = #tpu.dot_dimension_numbers<[1], [0], [0], [1], [0, 0, 1, 1], [], []>, transpose_lhs_hint = false} : vector<2000x256xbf16>, vector<256x256xbf16>, vector<2000x256xf32> -> vector<2000x256xf32>
    %convert_element_type3A_192 = arith.truncf %concatenate3A : vector<2000x256xf32> to vector<2000x256xbf16>
    %convert_element_type3A_193 = arith.truncf %select_n3A_187 : vector<256x256xf32> to vector<256x256xbf16>
    %dot_general3A_194 = arith.constant dense<0.000000e+00> : vector<2000x256xf32>
    %dot_general3A_195 = tpu.matmul %convert_element_type3A_192, %convert_element_type3A_193, %dot_general3A_194 {dimension_numbers = #tpu.dot_dimension_numbers<[1], [0], [0], [1], [0, 0, 1, 1], [], []>, transpose_lhs_hint = false} : vector<2000x256xbf16>, vector<256x256xbf16>, vector<2000x256xf32> -> vector<2000x256xf32>
    %iota3A_196 = tpu.iota {dimensions = array<i32: 0>} : vector<256x4xi32>
    %iota3A_197 = tpu.iota {dimensions = array<i32: 1>} : vector<256x4xi32>
    %jit3A_198 = arith.constant 64 : i32
    %div3A_199 = vector.broadcast %jit3A_198 : i32 to vector<256x4xi32>
    %div3A_200 = arith.divsi %iota3A_196, %div3A_199 : vector<256x4xi32>
    %sign3A_201 = arith.constant 0 : i32
    %sign3A_202 = vector.broadcast %sign3A_201 : i32 to vector<256x4xi32>
    %sign3A_203 = arith.cmpi sgt, %iota3A_196, %sign3A_202 : vector<256x4xi32>
    %sign3A_204 = arith.extui %sign3A_203 : vector<256x4xi1> to vector<256x4xi32>
    %sign3A_205 = arith.constant 0 : i32
    %sign3A_206 = vector.broadcast %sign3A_205 : i32 to vector<256x4xi32>
    %sign3A_207 = arith.cmpi slt, %iota3A_196, %sign3A_206 : vector<256x4xi32>
    %sign3A_208 = arith.extui %sign3A_207 : vector<256x4xi1> to vector<256x4xi32>
    %sign3A_209 = arith.subi %sign3A_204, %sign3A_208 : vector<256x4xi32>
    %sign3A_210 = arith.constant 0 : i32
    %sign3A_211 = arith.cmpi sgt, %jit3A_198, %sign3A_210 : i32
    %sign3A_212 = arith.extui %sign3A_211 : i1 to i32
    %sign3A_213 = arith.constant 0 : i32
    %sign3A_214 = arith.cmpi slt, %jit3A_198, %sign3A_213 : i32
    %sign3A_215 = arith.extui %sign3A_214 : i1 to i32
    %sign3A_216 = arith.subi %sign3A_212, %sign3A_215 : i32
    %ne3A_217 = vector.broadcast %sign3A_216 : i32 to vector<256x4xi32>
    %ne3A_218 = arith.cmpi ne, %sign3A_209, %ne3A_217 : vector<256x4xi32>
    %rem3A_219 = vector.broadcast %jit3A_198 : i32 to vector<256x4xi32>
    %rem3A_220 = arith.remsi %iota3A_196, %rem3A_219 : vector<256x4xi32>
    %ne3A_221 = arith.constant 0 : i32
    %ne3A_222 = vector.broadcast %ne3A_221 : i32 to vector<256x4xi32>
    %ne3A_223 = arith.cmpi ne, %rem3A_220, %ne3A_222 : vector<256x4xi32>
    %and3A_224 = arith.andi %ne3A_218, %ne3A_223 : vector<256x4xi1>
    %sub3A_225 = arith.constant 1 : i32
    %sub3A_226 = vector.broadcast %sub3A_225 : i32 to vector<256x4xi32>
    %sub3A_227 = arith.subi %div3A_200, %sub3A_226 : vector<256x4xi32>
    %select_n3A_228 = arith.select %and3A_224, %sub3A_227, %div3A_200 : vector<256x4xi1>, vector<256x4xi32>
    %eq3A_229 = arith.cmpi eq, %select_n3A_228, %iota3A_197 : vector<256x4xi32>
    %convert_element_type3A_230 = arith.extui %eq3A_229 : vector<256x4xi1> to vector<256x4xi32>
    %convert_element_type3A_231 = arith.sitofp %convert_element_type3A_230 : vector<256x4xi32> to vector<256x4xf32>
    %iota3A_232 = tpu.iota {dimensions = array<i32: 0>} : vector<4x256xi32>
    %iota3A_233 = tpu.iota {dimensions = array<i32: 1>} : vector<4x256xi32>
    %jit3A_234 = arith.constant 64 : i32
    %div3A_235 = vector.broadcast %jit3A_234 : i32 to vector<4x256xi32>
    %div3A_236 = arith.divsi %iota3A_233, %div3A_235 : vector<4x256xi32>
    %sign3A_237 = arith.constant 0 : i32
    %sign3A_238 = vector.broadcast %sign3A_237 : i32 to vector<4x256xi32>
    %sign3A_239 = arith.cmpi sgt, %iota3A_233, %sign3A_238 : vector<4x256xi32>
    %sign3A_240 = arith.extui %sign3A_239 : vector<4x256xi1> to vector<4x256xi32>
    %sign3A_241 = arith.constant 0 : i32
    %sign3A_242 = vector.broadcast %sign3A_241 : i32 to vector<4x256xi32>
    %sign3A_243 = arith.cmpi slt, %iota3A_233, %sign3A_242 : vector<4x256xi32>
    %sign3A_244 = arith.extui %sign3A_243 : vector<4x256xi1> to vector<4x256xi32>
    %sign3A_245 = arith.subi %sign3A_240, %sign3A_244 : vector<4x256xi32>
    %sign3A_246 = arith.constant 0 : i32
    %sign3A_247 = arith.cmpi sgt, %jit3A_234, %sign3A_246 : i32
    %sign3A_248 = arith.extui %sign3A_247 : i1 to i32
    %sign3A_249 = arith.constant 0 : i32
    %sign3A_250 = arith.cmpi slt, %jit3A_234, %sign3A_249 : i32
    %sign3A_251 = arith.extui %sign3A_250 : i1 to i32
    %sign3A_252 = arith.subi %sign3A_248, %sign3A_251 : i32
    %ne3A_253 = vector.broadcast %sign3A_252 : i32 to vector<4x256xi32>
    %ne3A_254 = arith.cmpi ne, %sign3A_245, %ne3A_253 : vector<4x256xi32>
    %rem3A_255 = vector.broadcast %jit3A_234 : i32 to vector<4x256xi32>
    %rem3A_256 = arith.remsi %iota3A_233, %rem3A_255 : vector<4x256xi32>
    %ne3A_257 = arith.constant 0 : i32
    %ne3A_258 = vector.broadcast %ne3A_257 : i32 to vector<4x256xi32>
    %ne3A_259 = arith.cmpi ne, %rem3A_256, %ne3A_258 : vector<4x256xi32>
    %and3A_260 = arith.andi %ne3A_254, %ne3A_259 : vector<4x256xi1>
    %sub3A_261 = arith.constant 1 : i32
    %sub3A_262 = vector.broadcast %sub3A_261 : i32 to vector<4x256xi32>
    %sub3A_263 = arith.subi %div3A_236, %sub3A_262 : vector<4x256xi32>
    %select_n3A_264 = arith.select %and3A_260, %sub3A_263, %div3A_236 : vector<4x256xi1>, vector<4x256xi32>
    %eq3A_265 = arith.cmpi eq, %iota3A_232, %select_n3A_264 : vector<4x256xi32>
    %convert_element_type3A_266 = arith.extui %eq3A_265 : vector<4x256xi1> to vector<4x256xi32>
    %convert_element_type3A_267 = arith.sitofp %convert_element_type3A_266 : vector<4x256xi32> to vector<4x256xf32>
    %iota3A_268 = tpu.iota {dimensions = array<i32: 0>} : vector<256x64xi32>
    %iota3A_269 = tpu.iota {dimensions = array<i32: 1>} : vector<256x64xi32>
    %jit3A_270 = arith.constant 64 : i32
    %eq3A_271 = arith.constant 0 : i32
    %eq3A_272 = arith.cmpi eq, %jit3A_270, %eq3A_271 : i32
    %jit3A_273 = arith.constant 1 : i32
    %select_n3A_274 = arith.select %eq3A_272, %jit3A_273, %jit3A_270 : i32
    %rem3A_275 = vector.broadcast %select_n3A_274 : i32 to vector<256x64xi32>
    %rem3A_276 = arith.remsi %iota3A_268, %rem3A_275 : vector<256x64xi32>
    %ne3A_277 = arith.constant 0 : i32
    %ne3A_278 = vector.broadcast %ne3A_277 : i32 to vector<256x64xi32>
    %ne3A_279 = arith.cmpi ne, %rem3A_276, %ne3A_278 : vector<256x64xi32>
    %lt3A = arith.constant 0 : i32
    %lt3A_280 = vector.broadcast %lt3A : i32 to vector<256x64xi32>
    %lt3A_281 = arith.cmpi slt, %rem3A_276, %lt3A_280 : vector<256x64xi32>
    %lt3A_282 = arith.constant 0 : i32
    %lt3A_283 = arith.cmpi slt, %select_n3A_274, %lt3A_282 : i32
    %ne3A_284 = vector.broadcast %lt3A_283 : i1 to vector<256x64xi1>
    %ne3A_285 = vector.broadcast %ne3A_284 : vector<256x64xi1> to vector<256x64xi1>
    %ne3A_286 = arith.xori %lt3A_281, %ne3A_285 : vector<256x64xi1>
    %and3A_287 = arith.andi %ne3A_286, %ne3A_279 : vector<256x64xi1>
    %add3A_288 = vector.broadcast %select_n3A_274 : i32 to vector<256x64xi32>
    %add3A_289 = arith.addi %rem3A_276, %add3A_288 : vector<256x64xi32>
    %select_n3A_290 = arith.select %and3A_287, %add3A_289, %rem3A_276 : vector<256x64xi1>, vector<256x64xi32>
    %eq3A_291 = arith.cmpi eq, %select_n3A_290, %iota3A_269 : vector<256x64xi32>
    %convert_element_type3A_292 = arith.extui %eq3A_291 : vector<256x64xi1> to vector<256x64xi32>
    %convert_element_type3A_293 = arith.sitofp %convert_element_type3A_292 : vector<256x64xi32> to vector<256x64xf32>
    %concatenate3A_294 = tpu.concatenate %add3A_43, %add3A_43, %add3A_43, %add3A_43 in 1 : vector<2000x64xf32>, vector<2000x64xf32>, vector<2000x64xf32>, vector<2000x64xf32> -> vector<2000x256xf32>
    %mul3A_295 = arith.mulf %concatenate3A_294, %dot_general3A_191 : vector<2000x256xf32>
    %dot_general3A_296 = arith.constant dense<0.000000e+00> : vector<2000x4xf32>
    %dot_general3A_297 = tpu.matmul %mul3A_295, %convert_element_type3A_231, %dot_general3A_296 {dimension_numbers = #tpu.dot_dimension_numbers<[1], [0], [0], [1], [0, 0, 1, 1], [], []>, transpose_lhs_hint = false} : vector<2000x256xf32>, vector<256x4xf32>, vector<2000x4xf32> -> vector<2000x4xf32>
    %mul3A_298 = arith.constant 1.250000e-01 : f32
    %mul3A_299 = vector.broadcast %mul3A_298 : f32 to vector<2000x4xf32>
    %mul3A_300 = arith.mulf %dot_general3A_297, %mul3A_299 : vector<2000x4xf32>
    %reduce_max3A = arith.constant dense<0xFF800000> : vector<2000xf32>
    %reduce_max3A_301 = vector.multi_reduction <maximumf>, %mul3A_300, %reduce_max3A [1] : vector<2000x4xf32> to vector<2000xf32>
    %broadcast_in_dim3A_302 = vector.shape_cast %reduce_max3A_301 : vector<2000xf32> to vector<2000x1xf32>
    %sub3A_303 = vector.broadcast %broadcast_in_dim3A_302 : vector<2000x1xf32> to vector<2000x4xf32>
    %sub3A_304 = arith.subf %mul3A_300, %sub3A_303 : vector<2000x4xf32>
    %exp3A = math.exp %sub3A_304 : vector<2000x4xf32>
    %reduce_sum3A_305 = arith.constant dense<0.000000e+00> : vector<2000xf32>
    %reduce_sum3A_306 = vector.multi_reduction <add>, %exp3A, %reduce_sum3A_305 [1] : vector<2000x4xf32> to vector<2000xf32>
    %broadcast_in_dim3A_307 = vector.shape_cast %reduce_sum3A_306 : vector<2000xf32> to vector<2000x1xf32>
    %div3A_308 = vector.broadcast %broadcast_in_dim3A_307 : vector<2000x1xf32> to vector<2000x4xf32>
    %div3A_309 = arith.divf %exp3A, %div3A_308 : vector<2000x4xf32>
    %dot_general3A_310 = arith.constant dense<0.000000e+00> : vector<2000x256xf32>
    %dot_general3A_311 = tpu.matmul %div3A_309, %convert_element_type3A_267, %dot_general3A_310 {dimension_numbers = #tpu.dot_dimension_numbers<[1], [0], [0], [1], [0, 0, 1, 1], [], []>, transpose_lhs_hint = false} : vector<2000x4xf32>, vector<4x256xf32>, vector<2000x256xf32> -> vector<2000x256xf32>
    %mul3A_312 = arith.mulf %dot_general3A_311, %dot_general3A_195 : vector<2000x256xf32>
    %dot_general3A_313 = arith.constant dense<0.000000e+00> : vector<2000x64xf32>
    %dot_general3A_314 = tpu.matmul %mul3A_312, %convert_element_type3A_293, %dot_general3A_313 {dimension_numbers = #tpu.dot_dimension_numbers<[1], [0], [0], [1], [0, 0, 1, 1], [], []>, transpose_lhs_hint = false} : vector<2000x256xf32>, vector<256x64xf32>, vector<2000x64xf32> -> vector<2000x64xf32>
    %reduce_sum3A_315 = arith.constant dense<0.000000e+00> : vector<2000xf32>
    %reduce_sum3A_316 = vector.multi_reduction <add>, %dot_general3A_314, %reduce_sum3A_315 [1] : vector<2000x64xf32> to vector<2000xf32>
    %broadcast_in_dim3A_317 = vector.shape_cast %reduce_sum3A_316 : vector<2000xf32> to vector<2000x1xf32>
    %div3A_318 = arith.constant 6.400000e+01 : f32
    %div3A_319 = vector.broadcast %div3A_318 : f32 to vector<2000x1xf32>
    %div3A_320 = arith.divf %broadcast_in_dim3A_317, %div3A_319 : vector<2000x1xf32>
    %sub3A_321 = vector.broadcast %div3A_320 : vector<2000x1xf32> to vector<2000x64xf32>
    %sub3A_322 = arith.subf %dot_general3A_314, %sub3A_321 : vector<2000x64xf32>
    %integer_pow3A = arith.mulf %sub3A_322, %sub3A_322 : vector<2000x64xf32>
    %reduce_sum3A_323 = arith.constant dense<0.000000e+00> : vector<2000xf32>
    %reduce_sum3A_324 = vector.multi_reduction <add>, %integer_pow3A, %reduce_sum3A_323 [1] : vector<2000x64xf32> to vector<2000xf32>
    %broadcast_in_dim3A_325 = vector.shape_cast %reduce_sum3A_324 : vector<2000xf32> to vector<2000x1xf32>
    %div3A_326 = arith.constant 6.400000e+01 : f32
    %div3A_327 = vector.broadcast %div3A_326 : f32 to vector<2000x1xf32>
    %div3A_328 = arith.divf %broadcast_in_dim3A_325, %div3A_327 : vector<2000x1xf32>
    %sub3A_329 = vector.broadcast %div3A_320 : vector<2000x1xf32> to vector<2000x64xf32>
    %sub3A_330 = arith.subf %dot_general3A_314, %sub3A_329 : vector<2000x64xf32>
    %add3A_331 = arith.constant 9.99999974E-6 : f32
    %add3A_332 = vector.broadcast %add3A_331 : f32 to vector<2000x1xf32>
    %add3A_333 = arith.addf %div3A_328, %add3A_332 : vector<2000x1xf32>
    %rsqrt3A_334 = math.rsqrt %add3A_333 : vector<2000x1xf32>
    %mul3A_335 = vector.broadcast %rsqrt3A_334 : vector<2000x1xf32> to vector<2000x64xf32>
    %mul3A_336 = arith.mulf %sub3A_330, %mul3A_335 : vector<2000x64xf32>
    %concatenate3A_337 = tpu.concatenate %add3A_96, %add3A_96, %add3A_96, %add3A_96 in 1 : vector<2000x64xf32>, vector<2000x64xf32>, vector<2000x64xf32>, vector<2000x64xf32> -> vector<2000x256xf32>
    %mul3A_338 = arith.mulf %concatenate3A_337, %dot_general3A_191 : vector<2000x256xf32>
    %dot_general3A_339 = arith.constant dense<0.000000e+00> : vector<2000x4xf32>
    %dot_general3A_340 = tpu.matmul %mul3A_338, %convert_element_type3A_231, %dot_general3A_339 {dimension_numbers = #tpu.dot_dimension_numbers<[1], [0], [0], [1], [0, 0, 1, 1], [], []>, transpose_lhs_hint = false} : vector<2000x256xf32>, vector<256x4xf32>, vector<2000x4xf32> -> vector<2000x4xf32>
    %mul3A_341 = arith.constant 1.250000e-01 : f32
    %mul3A_342 = vector.broadcast %mul3A_341 : f32 to vector<2000x4xf32>
    %mul3A_343 = arith.mulf %dot_general3A_340, %mul3A_342 : vector<2000x4xf32>
    %reduce_max3A_344 = arith.constant dense<0xFF800000> : vector<2000xf32>
    %reduce_max3A_345 = vector.multi_reduction <maximumf>, %mul3A_343, %reduce_max3A_344 [1] : vector<2000x4xf32> to vector<2000xf32>
    %broadcast_in_dim3A_346 = vector.shape_cast %reduce_max3A_345 : vector<2000xf32> to vector<2000x1xf32>
    %sub3A_347 = vector.broadcast %broadcast_in_dim3A_346 : vector<2000x1xf32> to vector<2000x4xf32>
    %sub3A_348 = arith.subf %mul3A_343, %sub3A_347 : vector<2000x4xf32>
    %exp3A_349 = math.exp %sub3A_348 : vector<2000x4xf32>
    %reduce_sum3A_350 = arith.constant dense<0.000000e+00> : vector<2000xf32>
    %reduce_sum3A_351 = vector.multi_reduction <add>, %exp3A_349, %reduce_sum3A_350 [1] : vector<2000x4xf32> to vector<2000xf32>
    %broadcast_in_dim3A_352 = vector.shape_cast %reduce_sum3A_351 : vector<2000xf32> to vector<2000x1xf32>
    %div3A_353 = vector.broadcast %broadcast_in_dim3A_352 : vector<2000x1xf32> to vector<2000x4xf32>
    %div3A_354 = arith.divf %exp3A_349, %div3A_353 : vector<2000x4xf32>
    %dot_general3A_355 = arith.constant dense<0.000000e+00> : vector<2000x256xf32>
    %dot_general3A_356 = tpu.matmul %div3A_354, %convert_element_type3A_267, %dot_general3A_355 {dimension_numbers = #tpu.dot_dimension_numbers<[1], [0], [0], [1], [0, 0, 1, 1], [], []>, transpose_lhs_hint = false} : vector<2000x4xf32>, vector<4x256xf32>, vector<2000x256xf32> -> vector<2000x256xf32>
    %mul3A_357 = arith.mulf %dot_general3A_356, %dot_general3A_195 : vector<2000x256xf32>
    %dot_general3A_358 = arith.constant dense<0.000000e+00> : vector<2000x64xf32>
    %dot_general3A_359 = tpu.matmul %mul3A_357, %convert_element_type3A_293, %dot_general3A_358 {dimension_numbers = #tpu.dot_dimension_numbers<[1], [0], [0], [1], [0, 0, 1, 1], [], []>, transpose_lhs_hint = false} : vector<2000x256xf32>, vector<256x64xf32>, vector<2000x64xf32> -> vector<2000x64xf32>
    %reduce_sum3A_360 = arith.constant dense<0.000000e+00> : vector<2000xf32>
    %reduce_sum3A_361 = vector.multi_reduction <add>, %dot_general3A_359, %reduce_sum3A_360 [1] : vector<2000x64xf32> to vector<2000xf32>
    %broadcast_in_dim3A_362 = vector.shape_cast %reduce_sum3A_361 : vector<2000xf32> to vector<2000x1xf32>
    %div3A_363 = arith.constant 6.400000e+01 : f32
    %div3A_364 = vector.broadcast %div3A_363 : f32 to vector<2000x1xf32>
    %div3A_365 = arith.divf %broadcast_in_dim3A_362, %div3A_364 : vector<2000x1xf32>
    %sub3A_366 = vector.broadcast %div3A_365 : vector<2000x1xf32> to vector<2000x64xf32>
    %sub3A_367 = arith.subf %dot_general3A_359, %sub3A_366 : vector<2000x64xf32>
    %integer_pow3A_368 = arith.mulf %sub3A_367, %sub3A_367 : vector<2000x64xf32>
    %reduce_sum3A_369 = arith.constant dense<0.000000e+00> : vector<2000xf32>
    %reduce_sum3A_370 = vector.multi_reduction <add>, %integer_pow3A_368, %reduce_sum3A_369 [1] : vector<2000x64xf32> to vector<2000xf32>
    %broadcast_in_dim3A_371 = vector.shape_cast %reduce_sum3A_370 : vector<2000xf32> to vector<2000x1xf32>
    %div3A_372 = arith.constant 6.400000e+01 : f32
    %div3A_373 = vector.broadcast %div3A_372 : f32 to vector<2000x1xf32>
    %div3A_374 = arith.divf %broadcast_in_dim3A_371, %div3A_373 : vector<2000x1xf32>
    %sub3A_375 = vector.broadcast %div3A_365 : vector<2000x1xf32> to vector<2000x64xf32>
    %sub3A_376 = arith.subf %dot_general3A_359, %sub3A_375 : vector<2000x64xf32>
    %add3A_377 = arith.constant 9.99999974E-6 : f32
    %add3A_378 = vector.broadcast %add3A_377 : f32 to vector<2000x1xf32>
    %add3A_379 = arith.addf %div3A_374, %add3A_378 : vector<2000x1xf32>
    %rsqrt3A_380 = math.rsqrt %add3A_379 : vector<2000x1xf32>
    %mul3A_381 = vector.broadcast %rsqrt3A_380 : vector<2000x1xf32> to vector<2000x64xf32>
    %mul3A_382 = arith.mulf %sub3A_376, %mul3A_381 : vector<2000x64xf32>
    %add3A_383 = arith.addf %mul3A_336, %mul3A_382 : vector<2000x64xf32>
    %concatenate3A_384 = tpu.concatenate %add3A_109, %add3A_109, %add3A_109, %add3A_109 in 1 : vector<2000x64xf32>, vector<2000x64xf32>, vector<2000x64xf32>, vector<2000x64xf32> -> vector<2000x256xf32>
    %mul3A_385 = arith.mulf %concatenate3A_384, %dot_general3A_191 : vector<2000x256xf32>
    %dot_general3A_386 = arith.constant dense<0.000000e+00> : vector<2000x4xf32>
    %dot_general3A_387 = tpu.matmul %mul3A_385, %convert_element_type3A_231, %dot_general3A_386 {dimension_numbers = #tpu.dot_dimension_numbers<[1], [0], [0], [1], [0, 0, 1, 1], [], []>, transpose_lhs_hint = false} : vector<2000x256xf32>, vector<256x4xf32>, vector<2000x4xf32> -> vector<2000x4xf32>
    %mul3A_388 = arith.constant 1.250000e-01 : f32
    %mul3A_389 = vector.broadcast %mul3A_388 : f32 to vector<2000x4xf32>
    %mul3A_390 = arith.mulf %dot_general3A_387, %mul3A_389 : vector<2000x4xf32>
    %reduce_max3A_391 = arith.constant dense<0xFF800000> : vector<2000xf32>
    %reduce_max3A_392 = vector.multi_reduction <maximumf>, %mul3A_390, %reduce_max3A_391 [1] : vector<2000x4xf32> to vector<2000xf32>
    %broadcast_in_dim3A_393 = vector.shape_cast %reduce_max3A_392 : vector<2000xf32> to vector<2000x1xf32>
    %sub3A_394 = vector.broadcast %broadcast_in_dim3A_393 : vector<2000x1xf32> to vector<2000x4xf32>
    %sub3A_395 = arith.subf %mul3A_390, %sub3A_394 : vector<2000x4xf32>
    %exp3A_396 = math.exp %sub3A_395 : vector<2000x4xf32>
    %reduce_sum3A_397 = arith.constant dense<0.000000e+00> : vector<2000xf32>
    %reduce_sum3A_398 = vector.multi_reduction <add>, %exp3A_396, %reduce_sum3A_397 [1] : vector<2000x4xf32> to vector<2000xf32>
    %broadcast_in_dim3A_399 = vector.shape_cast %reduce_sum3A_398 : vector<2000xf32> to vector<2000x1xf32>
    %div3A_400 = vector.broadcast %broadcast_in_dim3A_399 : vector<2000x1xf32> to vector<2000x4xf32>
    %div3A_401 = arith.divf %exp3A_396, %div3A_400 : vector<2000x4xf32>
    %dot_general3A_402 = arith.constant dense<0.000000e+00> : vector<2000x256xf32>
    %dot_general3A_403 = tpu.matmul %div3A_401, %convert_element_type3A_267, %dot_general3A_402 {dimension_numbers = #tpu.dot_dimension_numbers<[1], [0], [0], [1], [0, 0, 1, 1], [], []>, transpose_lhs_hint = false} : vector<2000x4xf32>, vector<4x256xf32>, vector<2000x256xf32> -> vector<2000x256xf32>
    %mul3A_404 = arith.mulf %dot_general3A_403, %dot_general3A_195 : vector<2000x256xf32>
    %dot_general3A_405 = arith.constant dense<0.000000e+00> : vector<2000x64xf32>
    %dot_general3A_406 = tpu.matmul %mul3A_404, %convert_element_type3A_293, %dot_general3A_405 {dimension_numbers = #tpu.dot_dimension_numbers<[1], [0], [0], [1], [0, 0, 1, 1], [], []>, transpose_lhs_hint = false} : vector<2000x256xf32>, vector<256x64xf32>, vector<2000x64xf32> -> vector<2000x64xf32>
    %reduce_sum3A_407 = arith.constant dense<0.000000e+00> : vector<2000xf32>
    %reduce_sum3A_408 = vector.multi_reduction <add>, %dot_general3A_406, %reduce_sum3A_407 [1] : vector<2000x64xf32> to vector<2000xf32>
    %broadcast_in_dim3A_409 = vector.shape_cast %reduce_sum3A_408 : vector<2000xf32> to vector<2000x1xf32>
    %div3A_410 = arith.constant 6.400000e+01 : f32
    %div3A_411 = vector.broadcast %div3A_410 : f32 to vector<2000x1xf32>
    %div3A_412 = arith.divf %broadcast_in_dim3A_409, %div3A_411 : vector<2000x1xf32>
    %sub3A_413 = vector.broadcast %div3A_412 : vector<2000x1xf32> to vector<2000x64xf32>
    %sub3A_414 = arith.subf %dot_general3A_406, %sub3A_413 : vector<2000x64xf32>
    %integer_pow3A_415 = arith.mulf %sub3A_414, %sub3A_414 : vector<2000x64xf32>
    %reduce_sum3A_416 = arith.constant dense<0.000000e+00> : vector<2000xf32>
    %reduce_sum3A_417 = vector.multi_reduction <add>, %integer_pow3A_415, %reduce_sum3A_416 [1] : vector<2000x64xf32> to vector<2000xf32>
    %broadcast_in_dim3A_418 = vector.shape_cast %reduce_sum3A_417 : vector<2000xf32> to vector<2000x1xf32>
    %div3A_419 = arith.constant 6.400000e+01 : f32
    %div3A_420 = vector.broadcast %div3A_419 : f32 to vector<2000x1xf32>
    %div3A_421 = arith.divf %broadcast_in_dim3A_418, %div3A_420 : vector<2000x1xf32>
    %sub3A_422 = vector.broadcast %div3A_412 : vector<2000x1xf32> to vector<2000x64xf32>
    %sub3A_423 = arith.subf %dot_general3A_406, %sub3A_422 : vector<2000x64xf32>
    %add3A_424 = arith.constant 9.99999974E-6 : f32
    %add3A_425 = vector.broadcast %add3A_424 : f32 to vector<2000x1xf32>
    %add3A_426 = arith.addf %div3A_421, %add3A_425 : vector<2000x1xf32>
    %rsqrt3A_427 = math.rsqrt %add3A_426 : vector<2000x1xf32>
    %mul3A_428 = vector.broadcast %rsqrt3A_427 : vector<2000x1xf32> to vector<2000x64xf32>
    %mul3A_429 = arith.mulf %sub3A_423, %mul3A_428 : vector<2000x64xf32>
    %add3A_430 = arith.addf %add3A_383, %mul3A_429 : vector<2000x64xf32>
    %concatenate3A_431 = tpu.concatenate %get3A_112, %get3A_112, %get3A_112, %get3A_112 in 1 : vector<2000x64xf32>, vector<2000x64xf32>, vector<2000x64xf32>, vector<2000x64xf32> -> vector<2000x256xf32>
    %mul3A_432 = arith.mulf %concatenate3A_431, %dot_general3A_191 : vector<2000x256xf32>
    %dot_general3A_433 = arith.constant dense<0.000000e+00> : vector<2000x4xf32>
    %dot_general3A_434 = tpu.matmul %mul3A_432, %convert_element_type3A_231, %dot_general3A_433 {dimension_numbers = #tpu.dot_dimension_numbers<[1], [0], [0], [1], [0, 0, 1, 1], [], []>, transpose_lhs_hint = false} : vector<2000x256xf32>, vector<256x4xf32>, vector<2000x4xf32> -> vector<2000x4xf32>
    %mul3A_435 = arith.constant 1.250000e-01 : f32
    %mul3A_436 = vector.broadcast %mul3A_435 : f32 to vector<2000x4xf32>
    %mul3A_437 = arith.mulf %dot_general3A_434, %mul3A_436 : vector<2000x4xf32>
    %reduce_max3A_438 = arith.constant dense<0xFF800000> : vector<2000xf32>
    %reduce_max3A_439 = vector.multi_reduction <maximumf>, %mul3A_437, %reduce_max3A_438 [1] : vector<2000x4xf32> to vector<2000xf32>
    %broadcast_in_dim3A_440 = vector.shape_cast %reduce_max3A_439 : vector<2000xf32> to vector<2000x1xf32>
    %sub3A_441 = vector.broadcast %broadcast_in_dim3A_440 : vector<2000x1xf32> to vector<2000x4xf32>
    %sub3A_442 = arith.subf %mul3A_437, %sub3A_441 : vector<2000x4xf32>
    %exp3A_443 = math.exp %sub3A_442 : vector<2000x4xf32>
    %reduce_sum3A_444 = arith.constant dense<0.000000e+00> : vector<2000xf32>
    %reduce_sum3A_445 = vector.multi_reduction <add>, %exp3A_443, %reduce_sum3A_444 [1] : vector<2000x4xf32> to vector<2000xf32>
    %broadcast_in_dim3A_446 = vector.shape_cast %reduce_sum3A_445 : vector<2000xf32> to vector<2000x1xf32>
    %div3A_447 = vector.broadcast %broadcast_in_dim3A_446 : vector<2000x1xf32> to vector<2000x4xf32>
    %div3A_448 = arith.divf %exp3A_443, %div3A_447 : vector<2000x4xf32>
    %dot_general3A_449 = arith.constant dense<0.000000e+00> : vector<2000x256xf32>
    %dot_general3A_450 = tpu.matmul %div3A_448, %convert_element_type3A_267, %dot_general3A_449 {dimension_numbers = #tpu.dot_dimension_numbers<[1], [0], [0], [1], [0, 0, 1, 1], [], []>, transpose_lhs_hint = false} : vector<2000x4xf32>, vector<4x256xf32>, vector<2000x256xf32> -> vector<2000x256xf32>
    %mul3A_451 = arith.mulf %dot_general3A_450, %dot_general3A_195 : vector<2000x256xf32>
    %dot_general3A_452 = arith.constant dense<0.000000e+00> : vector<2000x64xf32>
    %dot_general3A_453 = tpu.matmul %mul3A_451, %convert_element_type3A_293, %dot_general3A_452 {dimension_numbers = #tpu.dot_dimension_numbers<[1], [0], [0], [1], [0, 0, 1, 1], [], []>, transpose_lhs_hint = false} : vector<2000x256xf32>, vector<256x64xf32>, vector<2000x64xf32> -> vector<2000x64xf32>
    %reduce_sum3A_454 = arith.constant dense<0.000000e+00> : vector<2000xf32>
    %reduce_sum3A_455 = vector.multi_reduction <add>, %dot_general3A_453, %reduce_sum3A_454 [1] : vector<2000x64xf32> to vector<2000xf32>
    %broadcast_in_dim3A_456 = vector.shape_cast %reduce_sum3A_455 : vector<2000xf32> to vector<2000x1xf32>
    %div3A_457 = arith.constant 6.400000e+01 : f32
    %div3A_458 = vector.broadcast %div3A_457 : f32 to vector<2000x1xf32>
    %div3A_459 = arith.divf %broadcast_in_dim3A_456, %div3A_458 : vector<2000x1xf32>
    %sub3A_460 = vector.broadcast %div3A_459 : vector<2000x1xf32> to vector<2000x64xf32>
    %sub3A_461 = arith.subf %dot_general3A_453, %sub3A_460 : vector<2000x64xf32>
    %integer_pow3A_462 = arith.mulf %sub3A_461, %sub3A_461 : vector<2000x64xf32>
    %reduce_sum3A_463 = arith.constant dense<0.000000e+00> : vector<2000xf32>
    %reduce_sum3A_464 = vector.multi_reduction <add>, %integer_pow3A_462, %reduce_sum3A_463 [1] : vector<2000x64xf32> to vector<2000xf32>
    %broadcast_in_dim3A_465 = vector.shape_cast %reduce_sum3A_464 : vector<2000xf32> to vector<2000x1xf32>
    %div3A_466 = arith.constant 6.400000e+01 : f32
    %div3A_467 = vector.broadcast %div3A_466 : f32 to vector<2000x1xf32>
    %div3A_468 = arith.divf %broadcast_in_dim3A_465, %div3A_467 : vector<2000x1xf32>
    %sub3A_469 = vector.broadcast %div3A_459 : vector<2000x1xf32> to vector<2000x64xf32>
    %sub3A_470 = arith.subf %dot_general3A_453, %sub3A_469 : vector<2000x64xf32>
    %add3A_471 = arith.constant 9.99999974E-6 : f32
    %add3A_472 = vector.broadcast %add3A_471 : f32 to vector<2000x1xf32>
    %add3A_473 = arith.addf %div3A_468, %add3A_472 : vector<2000x1xf32>
    %rsqrt3A_474 = math.rsqrt %add3A_473 : vector<2000x1xf32>
    %mul3A_475 = vector.broadcast %rsqrt3A_474 : vector<2000x1xf32> to vector<2000x64xf32>
    %mul3A_476 = arith.mulf %sub3A_470, %mul3A_475 : vector<2000x64xf32>
    %add3A_477 = arith.addf %add3A_430, %mul3A_476 : vector<2000x64xf32>
    %mul3A_478 = arith.constant 2.500000e-01 : f32
    %mul3A_479 = vector.broadcast %mul3A_478 : f32 to vector<2000x64xf32>
    %mul3A_480 = arith.mulf %add3A_477, %mul3A_479 : vector<2000x64xf32>
    %convert_element_type3A_481 = arith.truncf %mul3A_480 : vector<2000x64xf32> to vector<2000x64xbf16>
    %swap3A = arith.constant 0 : index
    %swap3A_482 = arith.constant 0 : index
    %swap3A_483 = vector.load %arg22[%swap3A, %swap3A_482] : memref<2000x64xbf16, #tpu.memory_space<vmem>>, vector<2000x64xbf16>
    tpu.vector_store %arg22[%swap3A, %swap3A_482], %convert_element_type3A_481 {strides = array<i32>} : memref<2000x64xbf16, #tpu.memory_space<vmem>>, vector<2000x64xbf16>,
    return
  }
  func.func @transform_0(%arg0: i32) -> (i32, i32) {
    %c0_i32 = arith.constant 0 : i32
    %c0_i32_0 = arith.constant 0 : i32
    return %arg0, %c0_i32 : i32, i32
  }
  func.func @transform_1(%arg0: i32) -> (i32, i32) {
    %c0_i32 = arith.constant 0 : i32
    %c0_i32_0 = arith.constant 0 : i32
    return %arg0, %c0_i32 : i32, i32
  }
  func.func @transform_2(%arg0: i32) -> (i32, i32) {
    %c0_i32 = arith.constant 0 : i32
    %c0_i32_0 = arith.constant 0 : i32
    return %arg0, %c0_i32 : i32, i32
  }
  func.func @transform_3(%arg0: i32) -> (i32, i32) {
    %c0_i32 = arith.constant 0 : i32
    %c0_i32_0 = arith.constant 0 : i32
    return %arg0, %c0_i32 : i32, i32
  }
  func.func @transform_4(%arg0: i32) -> (i32, i32) {
    %c0_i32 = arith.constant 0 : i32
    %c0_i32_0 = arith.constant 0 : i32
    %c0_i32_1 = arith.constant 0 : i32
    return %c0_i32, %c0_i32_0 : i32, i32
  }
  func.func @transform_5(%arg0: i32) -> (i32, i32) {
    %c0_i32 = arith.constant 0 : i32
    %c0_i32_0 = arith.constant 0 : i32
    %c0_i32_1 = arith.constant 0 : i32
    return %c0_i32, %c0_i32_0 : i32, i32
  }
  func.func @transform_6(%arg0: i32) -> (i32, i32) {
    %c0_i32 = arith.constant 0 : i32
    %c0_i32_0 = arith.constant 0 : i32
    %c0_i32_1 = arith.constant 0 : i32
    return %c0_i32, %c0_i32_0 : i32, i32
  }
  func.func @transform_7(%arg0: i32) -> (i32, i32) {
    %c0_i32 = arith.constant 0 : i32
    %c0_i32_0 = arith.constant 0 : i32
    %c0_i32_1 = arith.constant 0 : i32
    return %c0_i32, %c0_i32_0 : i32, i32
  }
  func.func @transform_8(%arg0: i32) -> (i32, i32) {
    %c0_i32 = arith.constant 0 : i32
    %c0_i32_0 = arith.constant 0 : i32
    %c0_i32_1 = arith.constant 0 : i32
    return %c0_i32, %c0_i32_0 : i32, i32
  }
  func.func @transform_9(%arg0: i32) -> (i32, i32) {
    %c0_i32 = arith.constant 0 : i32
    %c0_i32_0 = arith.constant 0 : i32
    %c0_i32_1 = arith.constant 0 : i32
    return %c0_i32, %c0_i32_0 : i32, i32
  }
  func.func @transform_10(%arg0: i32) -> (i32, i32) {
    %c0_i32 = arith.constant 0 : i32
    %c0_i32_0 = arith.constant 0 : i32
    %c0_i32_1 = arith.constant 0 : i32
    return %c0_i32, %c0_i32_0 : i32, i32
  }
  func.func @transform_11(%arg0: i32) -> (i32, i32) {
    %c0_i32 = arith.constant 0 : i32
    %c0_i32_0 = arith.constant 0 : i32
    %c0_i32_1 = arith.constant 0 : i32
    return %c0_i32, %c0_i32_0 : i32, i32
  }
  func.func @transform_12(%arg0: i32) -> (i32, i32) {
    %c0_i32 = arith.constant 0 : i32
    %c0_i32_0 = arith.constant 0 : i32
    %c0_i32_1 = arith.constant 0 : i32
    return %c0_i32, %c0_i32_0 : i32, i32
  }
  func.func @transform_13(%arg0: i32) -> (i32, i32) {
    %c0_i32 = arith.constant 0 : i32
    %c0_i32_0 = arith.constant 0 : i32
    %c0_i32_1 = arith.constant 0 : i32
    return %c0_i32, %c0_i32_0 : i32, i32
  }
  func.func @transform_14(%arg0: i32) -> (i32, i32) {
    %c0_i32 = arith.constant 0 : i32
    %c0_i32_0 = arith.constant 0 : i32
    %c0_i32_1 = arith.constant 0 : i32
    return %c0_i32, %c0_i32_0 : i32, i32
  }
  func.func @transform_15(%arg0: i32) -> (i32, i32) {
    %c0_i32 = arith.constant 0 : i32
    %c0_i32_0 = arith.constant 0 : i32
    %c0_i32_1 = arith.constant 0 : i32
    return %c0_i32, %c0_i32_0 : i32, i32
  }
  func.func @transform_16(%arg0: i32) -> (i32, i32) {
    %c0_i32 = arith.constant 0 : i32
    %c0_i32_0 = arith.constant 0 : i32
    %c0_i32_1 = arith.constant 0 : i32
    return %c0_i32, %c0_i32_0 : i32, i32
  }
  func.func @transform_17(%arg0: i32) -> (i32, i32) {
    %c0_i32 = arith.constant 0 : i32
    %c0_i32_0 = arith.constant 0 : i32
    %c0_i32_1 = arith.constant 0 : i32
    return %c0_i32, %c0_i32_0 : i32, i32
  }
  func.func @transform_18(%arg0: i32) -> (i32, i32) {
    %c0_i32 = arith.constant 0 : i32
    %c0_i32_0 = arith.constant 0 : i32
    %c0_i32_1 = arith.constant 0 : i32
    return %c0_i32, %c0_i32_0 : i32, i32
  }
  func.func @transform_19(%arg0: i32) -> (i32, i32) {
    %c0_i32 = arith.constant 0 : i32
    %c0_i32_0 = arith.constant 0 : i32
    %c0_i32_1 = arith.constant 0 : i32
    return %c0_i32, %c0_i32_0 : i32, i32
  }
  func.func @transform_20(%arg0: i32) -> (i32, i32) {
    %c0_i32 = arith.constant 0 : i32
    %c0_i32_0 = arith.constant 0 : i32
    %c0_i32_1 = arith.constant 0 : i32
    return %c0_i32, %c0_i32_0 : i32, i32
  }
  func.func @transform_21(%arg0: i32) -> (i32, i32) {
    %c0_i32 = arith.constant 0 : i32
    %c0_i32_0 = arith.constant 0 : i32
    return %arg0, %c0_i32 : i32, i32
  }
}

module attributes {stable_mosaic.version = 14 : i64} {
  func.func @_combine_body(%arg0: i32, %arg1: memref<2x1000x64xbf16, #tpu.memory_space<vmem>>, %arg2: memref<2x1000x16xf32, #tpu.memory_space<vmem>>, %arg3: memref<1000x64xf32, #tpu.memory_space<vmem>>) attributes {dimension_semantics = [#tpu.dimension_semantics<arbitrary>], iteration_bounds = array<i64: 5>, scalar_prefetch = 0 : i64, scratch_operands = 0 : i64, tpu.core_type = #tpu.core_type<tc>, window_params = [{transform_indices = @transform_0, window_bounds = array<i64: 2, 1000, 64>}, {transform_indices = @transform_1, window_bounds = array<i64: 2, 1000, 16>}, {transform_indices = @transform_2, window_bounds = array<i64: 1000, 64>}]} {
    %get3A = arith.constant 0 : index
    %get3A_0 = arith.constant 0 : index
    %get3A_1 = arith.constant 0 : index
    %get3A_2 = vector.load %arg1[%get3A, %get3A_0, %get3A_1] : memref<2x1000x64xbf16, #tpu.memory_space<vmem>>, vector<1x1000x64xbf16>
    %get3A_3 = vector.shape_cast %get3A_2 : vector<1x1000x64xbf16> to vector<1000x64xbf16>
    %convert_element_type3A = arith.extf %get3A_3 : vector<1000x64xbf16> to vector<1000x64xf32>
    %get3A_4 = arith.constant 1 : index
    %get3A_5 = arith.constant 0 : index
    %get3A_6 = arith.constant 0 : index
    %get3A_7 = vector.load %arg1[%get3A_4, %get3A_5, %get3A_6] : memref<2x1000x64xbf16, #tpu.memory_space<vmem>>, vector<1x1000x64xbf16>
    %get3A_8 = vector.shape_cast %get3A_7 : vector<1x1000x64xbf16> to vector<1000x64xbf16>
    %convert_element_type3A_9 = arith.extf %get3A_8 : vector<1000x64xbf16> to vector<1000x64xf32>
    %add3A = arith.addf %convert_element_type3A, %convert_element_type3A_9 : vector<1000x64xf32>
    %get3A_10 = arith.constant 0 : index
    %get3A_11 = arith.constant 0 : index
    %get3A_12 = arith.constant 0 : index
    %get3A_13 = vector.load %arg2[%get3A_10, %get3A_11, %get3A_12] : memref<2x1000x16xf32, #tpu.memory_space<vmem>>, vector<1x1000x16xf32>
    %get3A_14 = vector.shape_cast %get3A_13 : vector<1x1000x16xf32> to vector<1000x16xf32>
    %slice3A = vector.extract_strided_slice %get3A_14 {offsets = [0, 0], sizes = [1000, 1], strides = [1, 1]} : vector<1000x16xf32> to vector<1000x1xf32>
    %get3A_15 = arith.constant 1 : index
    %get3A_16 = arith.constant 0 : index
    %get3A_17 = arith.constant 0 : index
    %get3A_18 = vector.load %arg2[%get3A_15, %get3A_16, %get3A_17] : memref<2x1000x16xf32, #tpu.memory_space<vmem>>, vector<1x1000x16xf32>
    %get3A_19 = vector.shape_cast %get3A_18 : vector<1x1000x16xf32> to vector<1000x16xf32>
    %slice3A_20 = vector.extract_strided_slice %get3A_19 {offsets = [0, 0], sizes = [1000, 1], strides = [1, 1]} : vector<1000x16xf32> to vector<1000x1xf32>
    %add3A_21 = arith.addf %slice3A, %slice3A_20 : vector<1000x1xf32>
    %add3A_22 = arith.constant 9.99999971E-10 : f32
    %add3A_23 = vector.broadcast %add3A_22 : f32 to vector<1000x1xf32>
    %add3A_24 = arith.addf %add3A_21, %add3A_23 : vector<1000x1xf32>
    %div3A = vector.broadcast %add3A_24 : vector<1000x1xf32> to vector<1000x64xf32>
    %div3A_25 = arith.divf %add3A, %div3A : vector<1000x64xf32>
    %swap3A = arith.constant 0 : index
    %swap3A_26 = arith.constant 0 : index
    %swap3A_27 = vector.load %arg3[%swap3A, %swap3A_26] : memref<1000x64xf32, #tpu.memory_space<vmem>>, vector<1000x64xf32>
    tpu.vector_store %arg3[%swap3A, %swap3A_26], %div3A_25 {strides = array<i32>} : memref<1000x64xf32, #tpu.memory_space<vmem>>, vector<1000x64xf32>,
    return
  }
  func.func @transform_0(%arg0: i32) -> (i32, i32, i32) {
    %c0_i32 = arith.constant 0 : i32
    %c0_i32_0 = arith.constant 0 : i32
    %c0_i32_1 = arith.constant 0 : i32
    return %c0_i32, %arg0, %c0_i32_0 : i32, i32, i32
  }
  func.func @transform_1(%arg0: i32) -> (i32, i32, i32) {
    %c0_i32 = arith.constant 0 : i32
    %c0_i32_0 = arith.constant 0 : i32
    %c0_i32_1 = arith.constant 0 : i32
    return %c0_i32, %arg0, %c0_i32_0 : i32, i32, i32
  }
  func.func @transform_2(%arg0: i32) -> (i32, i32) {
    %c0_i32 = arith.constant 0 : i32
    %c0_i32_0 = arith.constant 0 : i32
    return %arg0, %c0_i32 : i32, i32
  }
}

</mosaic_0001>

<sc_bundles>
// kernel: kernel.5.cloned.1.call-start
scs
__scs_entry_jumppad:
0x0: {  	(pc) =	sbr.rel $0x88, $3  }
0x1: {  	(tag) =	ssettag $0x0;
	lr =	simm.s32 $0x1  }
0x2: {  	[smem:$0x3F8A] =	sst lr;
	_ =	strace $0xD0000000  }
0x3: {  	_ = 	snop  }
0x4: {  	_ = 	snop  }
0x5: {  	_ = 	snop  }
0x6: {  	_ = 	snop  }
0x7: {  	_ = 	snop  }
__scs_overlays_trampoline_lowered:
0x8: {  	[smem:$0x3F99] =	sst s0  }
0x9: {  	[smem:$0x3F9A] =	sst s1  }
0xa: {  	[smem:$0x3F9B] =	sst s2  }
0xb: {  	[smem:$0x3F9C] =	sst s3  }
0xc: {  	[smem:$0x3F9D] =	sst s4  }
0xd: {  	[smem:$0x3F9E] =	sst s5  }
0xe: {  	[smem:$0x3F9F] =	sst s6  }
0xf: {  	[smem:$0x3FA0] =	sst s7  }
0x10: {  	[smem:$0x3FA1] =	sst s8  }
0x11: {  	[smem:$0x3FA2] =	sst s9;
	s0 =	simm.s32 @!p0 $0x0  }
0x12: {  	s1 =	sld [smem:$0x3F88];
	s0 =	simm.s32 @p0 $0x1  }
0x13: {  	[smem:$0x3FA3] =	sst s0;
	s0 =	simm.s32 @!p1 $0x0  }
0x14: {  	s2 =	sld [smem:$0x3F87];
	s0 =	simm.s32 @p1 $0x1  }
0x15: {  	[smem:$0x3FA4] =	sst s0;
	s0 =	simm.s32 @!p2 $0x0  }
0x16: {  	s3 =	sld [smem:$0x3FDB];
	s0 =	simm.s32 @p2 $0x1  }
0x17: {  	s4 =	simm.s32 $0x1BF5;
	[smem:$0x3FA6] =	sst s0  }
0x18: {  	s0 =	sld [smem:$0x3F89];
	_ =	swait.ge [sflag:s4], $0x0  }
0x19: {  	s7 =	sld [smem:$0x3F8A]  }
0x1a: {  	s8 =	sadd.s32 $0xFFFFE003, lr  }
0x1b: {  	s9 =	sadd.s32 $0xFFFFFEF7, lr;
	s5 =	simm.s32 $0xFFFFFFFF;
	p2 =	slt.u32 s8, $0xFFFFF086  }
0x1c: {  	p1 =	slt.u32 s9, $0xF7A;
	s5 =	simm.s32 @!p2 $0x0  }
0x1d: {  	s5 =	simm.s32 @p1 $0x1;
	p0 =	seq.s32 s7, s2  }
0x1e: {  	s7 =	smul.u32 @!p0 $0xF7A, s2;
	p2 =	seq.s32 @!p0 s5, $0x0  }
0x1f: {  	s9 =	smul.u32 $0xF7A, s1;
	s8 =	simm.s32 @!p0 $0x1BF5;
	p2 =	por !p2, p0  }
0x20: {  	[sflag:s8] =	ssyncset.s32 @!p0 $0xFFFFF086;
	s6 =	sadd.s32 @!p0 s3, s7;
	s7 =	simm.s32 @!p0 $0x108  }
0x21: {  	s3 =	sadd.s32 s3, s9;
	s6 =	sadd.s32 @!p0 $0x88, s6;
	s7 =	simm.s32 @p2 $0x1082  }
0x22: {  	[simem:s7], [sflag:s8] =	dma.local @!p0 [hbm:s6], $0xF7A  }
0x23: {  	s9 =	sor.u32 $0xD0000000, s2;
	s6 =	simm.s32 $0x108;
	_ =	swait.ge @!p0 [sflag:s8], $0x0  }
0x24: {  	s3 =	sadd.s32 $0x88, s3;
	s6 =	simm.s32 @!p1 $0x1082;
	[sflag:s4] =	ssyncset.s32 $0xFFFFF086  }
0x25: {  	[simem:s6], [sflag:s4] =	dma.local [hbm:s3], $0xF7A  }
0x26: {  	[smem:$0x3F8A] =	sst s1;
	(tag) =	ssettag s2;
	_ =	strace s9  }
0x27: {  	s1 =	sld [smem:$0x3F9A]  }
0x28: {  	s2 =	sld [smem:$0x3F9B]  }
0x29: {  	s4 =	sld [smem:$0x3F9D]  }
0x2a: {  	p0 =	seq.s32 s5, $0x0;
	s5 =	sld [smem:$0x3F9E]  }
0x2b: {  	s6 =	sld [smem:$0x3F9F]  }
0x2c: {  	s7 =	sld [smem:$0x3FA0]  }
0x2d: {  	s3 =	simm.s32 $0x108;
	s8 =	sld [smem:$0x3FA1]  }
0x2e: {  	s3 =	simm.s32 @!p0 $0x1082;
	s9 =	sld [smem:$0x3FA2]  }
0x2f: {  	lr =	sadd.s32 s0, s3;
	s0 =	sld [smem:$0x3F99]  }
0x30: {  	s3 =	sld [smem:$0x3F9C]  }
0x31: {  	[smem:$0x3FA5] =	sst s10  }
0x32: {  	s10 =	sld [smem:$0x3FA3];
	_ =	sdelay $0x3  }
0x33: {  	p0 =	seq.s32 s10, $0x1;
	s10 =	sld [smem:$0x3FA5];
	_ =	sdelay $0x3  }
0x34: {  	[smem:$0x3FA5] =	sst s10  }
0x35: {  	s10 =	sld [smem:$0x3FA4];
	_ =	sdelay $0x3  }
0x36: {  	p1 =	seq.s32 s10, $0x1;
	s10 =	sld [smem:$0x3FA5];
	_ =	sdelay $0x3  }
0x37: {  	[smem:$0x3FA5] =	sst s10  }
0x38: {  	s10 =	sld [smem:$0x3FA6]  }
0x39: {  	_ = 	snop;
	(pc) =	sbr.ind lr, $3  }
0x3a: {  	_ = 	snop  }
0x3b: {  	_ = 	snop  }
0x3c: {  	p2 =	seq.s32 s10, $0x1;
	s10 =	sld [smem:$0x3FA5]  }
0x3d: {  	_ =	shalt  }
0x3e: {  	_ =	shalt  }
0x3f: {  	_ =	shalt  }
0x40: {  	_ =	shalt  }
0x41: {  	_ =	shalt  }
0x42: {  	_ =	shalt  }
0x43: {  	_ =	shalt  }
0x44: {  	_ =	shalt  }
0x45: {  	_ =	shalt  }
0x46: {  	_ =	shalt  }
0x47: {  	_ =	shalt  }
0x48: {  	_ =	shalt  }
0x49: {  	_ =	shalt  }
0x4a: {  	_ =	shalt  }
0x4b: {  	_ =	shalt  }
0x4c: {  	_ =	shalt  }
0x4d: {  	_ =	shalt  }
0x4e: {  	_ =	shalt  }
0x4f: {  	_ =	shalt  }
0x50: {  	_ =	shalt  }
0x51: {  	_ =	shalt  }
0x52: {  	_ =	shalt  }
0x53: {  	_ =	shalt  }
0x54: {  	_ =	shalt  }
0x55: {  	_ =	shalt  }
0x56: {  	_ =	shalt  }
0x57: {  	_ =	shalt  }
0x58: {  	_ =	shalt  }
0x59: {  	_ =	shalt  }
0x5a: {  	_ =	shalt  }
0x5b: {  	_ =	shalt  }
0x5c: {  	_ =	shalt  }
0x5d: {  	_ =	shalt  }
0x5e: {  	_ =	shalt  }
0x5f: {  	_ =	shalt  }
0x60: {  	_ =	shalt  }
0x61: {  	_ =	shalt  }
0x62: {  	_ =	shalt  }
0x63: {  	_ =	shalt  }
0x64: {  	_ =	shalt  }
0x65: {  	_ =	shalt  }
0x66: {  	_ =	shalt  }
0x67: {  	_ =	shalt  }
0x68: {  	_ =	shalt  }
0x69: {  	_ =	shalt  }
0x6a: {  	_ =	shalt  }
0x6b: {  	_ =	shalt  }
0x6c: {  	_ =	shalt  }
0x6d: {  	_ =	shalt  }
0x6e: {  	_ =	shalt  }
0x6f: {  	_ =	shalt  }
0x70: {  	_ =	shalt  }
0x71: {  	_ =	shalt  }
0x72: {  	_ =	shalt  }
0x73: {  	_ =	shalt  }
0x74: {  	_ =	shalt  }
0x75: {  	_ =	shalt  }
0x76: {  	_ =	shalt  }
0x77: {  	_ =	shalt  }
0x78: {  	_ =	shalt  }
0x79: {  	_ =	shalt  }
0x7a: {  	_ =	shalt  }
0x7b: {  	_ =	shalt  }
0x7c: {  	_ =	shalt  }
0x7d: {  	_ =	shalt  }
0x7e: {  	_ =	shalt  }
0x7f: {  	_ =	shalt  }
0x80: {  	_ =	shalt  }
0x81: {  	_ =	shalt  }
0x82: {  	_ =	shalt  }
0x83: {  	_ =	shalt  }
0x84: {  	_ =	shalt  }
0x85: {  	_ =	shalt  }
0x86: {  	_ =	shalt  }
0x87: {  	_ =	shalt  }
.Lfunc_end0:
.L_simem_size_0:
called_computation_lowered:
.L_overlay_start_0:
0x88: {  	s2 =	sld [smem:$0x3FD9]  }
0x89: {  	s3 =	sld [smem:$0x3FFE];
	_ =	sdelay $0x1  }
0x8a: {  	s1 =	srdreg.scid  }
0x8b: {  	s0 =	sand.u32 $0x1, s1  }
0x8c: {  	s17 =	sshll.u32 s0, $0xA;
	s2 =	sadd.s32 s3, s2  }
0x8d: {  	s2 =	sadd.s32 s2, s17  }
0x8e: {  	[smem:$0x3FB1] =	sst s2  }
0x8f: {  	_ = 	snop  }
0x90: {  	s2 =	sld [smem:$0x3FD0];
	(tm) =	ssettm $0x1  }
0x91: {  	s18 =	sld [smem:$0x3FFB];
	_ =	sdelay $0x3  }
0x92: {  	_ =	strace s18  }
0x93: {  	s3 =	sld [smem:$0x3FFC];
	_ =	sdelay $0x3  }
0x94: {  	_ =	strace s3  }
0x95: {  	s3 =	sld [smem:$0x3FFD];
	_ =	sdelay $0x3  }
0x96: {  	_ =	strace s3  }
0x97: {  	_ =	strace $0x8FFFFFFF  }
0x98: {  	s19 =	sld [smem:$0x3FDB];
	_ =	sdelay $0x1  }
0x99: {  	s4 =	simm.s32 $_scs_section_size  }
0x9a: {  	s5 =	simm.s32 $_size__tile_overlayer_lowered;
	s6 =	simm.s32 $_tile_overlayer_lowered  }
0x9b: {  	s22 =	simm.s32 $0x1BFF;
	s21 =	sshll.u32 s6, $0x1;
	s3 =	sadd.s32 s4, s19  }
0x9c: {  	s7 =	simm.s32 $0x0;
	s20 =	sshll.u32 s5, $0x1;
	s5 =	sadd.s32 s21, s3  }
0x9d: {  	[timem:s7], [sflag:s22] =	dma.local [hbm:s5], s20  }
0x9e: {  	_ =	swait.ge [sflag:s22], s20  }
0x9f: {  	s4 =	ssub.s32 $0x0, s20;
	[sflag:s22] =	ssyncset.done $0x0  }
0xa0: {  	[sflag:s22] =	ssyncadd.s32 s4;
	_ =	sdelay $0x1  }
0xa1: {  	s23 =	simm.s32 $0x1B8B  }
0xa2: {  	_ =	swait.ge [sflag:s23], $0x1  }
0xa3: {  	[sflag:s23] =	ssyncset.done $0x0  }
0xa4: {  	s25 =	simm.s32 $0x1B8E;
	s24 =	sld [smem:$0x3FFE];
	[sflag:s23] =	ssyncadd.s32 $0xFFFFFFFF  }
0xa5: {  	s26 =	simm.s32 $execute0_lowered;
	[smem:$0x3FD2] =	sst s25  }
0xa6: {  	s5 =	sshll.u32 s26, $0x1;
	_ =	strace $0x80000046;
	[dreg:$0x1] =	wrdreg $0xFFFFFFFF  }
0xa7: {  	s28 =	simm.s32 $_size_execute0_lowered;
	s3 =	sadd.s32 s3, s5;
	[dreg:$0x0] =	wrdreg $0x0  }
0xa8: {  	s5 =	sshll.u32 s28, $0x1;
	[dreg:$0x2] =	wrdreg s3  }
0xa9: {  	[dreg:$0x3] =	wrdreg s5  }
0xaa: {  	[dreg:$0x4] =	wrdreg $0xC0  }
0xab: {  	_ =	task [dreg:s7], $0x5FFFF  }
0xac: {  	[dreg:$0x1] =	wrdreg $0xFFFFFFFF  }
0xad: {  	[dreg:$0x0] =	wrdreg $0x60  }
0xae: {  	[dreg:$0x2] =	wrdreg s24  }
0xaf: {  	[dreg:$0x3] =	wrdreg s2  }
0xb0: {  	[dreg:$0x4] =	wrdreg $0x50000  }
0xb1: {  	[dreg:$0x5] =	wrdreg $0x78000  }
0xb2: {  	[dreg:$0x6] =	wrdreg $0x8C000  }
0xb3: {  	[dreg:$0x7] =	wrdreg $0x9  }
0xb4: {  	_ =	task.clear_ibuf [dreg:s7], $0x8FFFF;
	_ =	strace $0x90000046  }
0xb5: {  	s29 =	simm.s32 $0x9;
	_ =	strace $0x80000048  }
0xb6: {  	_ =	swait.ge [sflag:s29], $0x1  }
0xb7: {  	[sflag:s29] =	ssyncadd.s32 $0xFFFFFFFF  }
0xb8: {  	_ =	strace $0x90000048  }
0xb9: {  	_ =	sfence  }
0xba: {  	s30 =	sld [smem:$0x0];
	_ =	sdelay $0x2  }
0xbb: {  	s31 =	sshll.u32 s1, $0xD;
	s1 =	sshrl.u32 s1, $0x2  }
0xbc: {  	s3 =	sand.u32 $0x4000, s31;
	s1 =	sadd.s32 s1, s30  }
0xbd: {  	s0 =	sor.u32 s3, s0;
	s1 =	sshll.u32 s1, $0x11  }
0xbe: {  	s0 =	sor.u32 s1, s0  }
0xbf: {  	s0 =	sadd.s32 $0x8F2B, s0  }
0xc0: {  	[sflag:s0] =	ssyncadd.remote.s32 $0x1  }
0xc1: {  	_ =	sfence.sel $0xFFFF  }
0xc2: {  	[dreg:$0x0] =	wrdreg $0xFFFFFFFF;
	(pc) =	sbr.abs _section_cstart, $3  }
0xc3: {  	[dreg:$0x1] =	wrdreg $0xFFFFFFFF  }
0xc4: {  	_ =	task.clear_ibuf [dreg:s7], $0x2FFFF;
	_ =	strace $0x9FFFFFFF  }
0xc5: {  	(tm) =	ssettm $0x7FFFFFFF  }
tec
execute0_lowered:
.L_overlay_start_1:
0x0: {  	(tag) =	ssettag $0x1  }
0x1: {  	s0 =	rddreg [dreg:$0x0]  }
0x2: {  	s2 =	rddreg [dreg:$0x1]  }
0x3: {  	s1 =	rddreg [dreg:$0x2]  }
0x4: {  	s18 =	stileid.u32;
	s4 =	srdreg.scid  }
0x5: {  	s3 =	rddreg [dreg:$0x3];
	s16 =	simm.s32 $0x1400;
	s28 =	simm.s32 $0x3  }
0x6: {  	s30 =	simm.s32 $0x1480;
	s31 =	simm.s32 $0x4;
	s29 =	simm.s32 $0x2700  }
0x7: {  	s6 =	sand.u32 $0x1, s4;
	s5 =	sshll.u32 s18, $0x1;
	s7 =	smul.u32 $0x9C40, s18  }
0x8: {  	s4 =	rddreg [dreg:$0x4];
	s11 =	smul.u32 $0x1400, s18;
	s17 =	sadd.s32 $0x17A00, s0  }
0x9: {  	s19 =	sadd.s32 $0xD000, s0;
	s20 =	sadd.s32 $0x17600, s0;
	s13 =	smul.u32 $0x5000, s18  }
0xa: {  	s26 =	sshll.u32 s18, $0x6;
	s8 =	sor.u32 s6, s5;
	s10 =	smul.u32 $0x14000, s6  }
0xb: {  	s5 =	simm.s32 $0x0;
	s22 =	ssub.s32 $0x2, s6;
	s6 =	smul.u32 $0x50000, s6  }
0xc: {  	s18 =	sor.u32 $0x1C06, s26;
	s26 =	simm.s32 $0x2;
	s8 =	smul.u32 $0x280, s8  }
0xd: {  	[smem:$0x7FF] =	sst s5;
	s9 =	sshrl.u32 s7, $0x4;
	s23 =	sshrl.u32 s22, $0x1  }
0xe: {  	s15 =	sshrl.u32 s13, $0x1;
	_ =	strace $0x80000047;
	[dreg:$0x6] =	wrdreg s17  }
0xf: {  	s7 =	sshrl.u32 s7, $0x1;
	s12 =	sadd.s32 s9, s0;
	[dreg:$0x7] =	wrdreg s19  }
0x10: {  	[dreg:$0x8] =	wrdreg s20;
	s21 =	sadd.s32 s11, s10;
	s14 =	ssub.s32 s22, s23  }
0x11: {  	s25 =	sadd.s32 s15, s1;
	s6 =	sadd.s32 s13, s6;
	s20 =	sadd.s32 s11, s3  }
0x12: {  	s7 =	sadd.s32 s7, s4;
	s15 =	simm.s32 $0x6;
	s17 =	simm.s32 $0x4800  }
0x13: {  	s22 =	simm.s32 $0x80;
	s23 =	simm.s32 $0x2800;
	s8 =	sadd.s32 s8, s0  }
0x14: {  	s9 =	sshrl.u32 s21, $0x3;
	s6 =	sshrl.u32 s6, $0x4;
	s11 =	sadd.s32 $0x3200, s12  }
0x15: {  	s14 =	smax.u32 s14, $0x1;
	s19 =	sshrl.u32 s25, $0x3;
	s20 =	sshrl.u32 s20, $0x3  }
0x16: {  	s21 =	sshrl.u32 s7, $0x3;
	s25 =	simm.s32 $0x3800;
	s0 =	sadd.s32 s9, s0  }
0x17: {  	s24 =	sadd.s32 $0x12600, s8;
	s10 =	sadd.s32 $0xD600, s8;
	s12 =	sadd.s32 s2, s6  }
0x18: {  	s2 =	simm.s32 $0x5;
	s6 =	simm.s32 $0x0;
	[dreg:$0x9] =	wrdreg s24  }
0x19: {  	s13 =	sadd.s32 $0x17C00, s0;
	s24 =	simm.s32 $0x1;
	s0 =	simm.s32 $0x2780  }
.LBB2_1:
0x1a: {  	s7 =	rddreg [dreg:$0x9]  }
0x1b: {  	[tilespmem:s5], [sflag:$0x6] =	stream.linear.gather [hbm4b:s7+s5], $0x1400, $0x38;
	[tilespmem:$0xDA20] =	vst v63  }
0x1c: {  	_ =	swait.ge [sflag:s15], $0x1400  }
0x1d: {  	[sflag:s15] =	ssyncset.done $0x0  }
0x1e: {  	[sflag:s15] =	ssyncadd.s32 $0xFFFFEC00  }
0x1f: {  	[tilespmem:s16], [sflag:$0x6] =	stream.linear.gather [hbm4b:s10+s5], $0x1400, $0x38;
	[tilespmem:$0xDA20] =	vst v63  }
0x20: {  	_ =	swait.ge [sflag:s15], $0x1400  }
0x21: {  	[sflag:s15] =	ssyncset.done $0x0  }
0x22: {  	s9 =	rddreg [dreg:$0x6];
	[sflag:s15] =	ssyncadd.s32 $0xFFFFEC00  }
0x23: {  	[tilespmem:s17], [sflag:$0x6] =	stream.linear.gather [hbm4b:s9+s5], $0x800, $0x38;
	[tilespmem:$0xDA20] =	vst v63  }
0x24: {  	_ =	swait.ge [sflag:s15], $0x800  }
0x25: {  	[sflag:s15] =	ssyncset.done $0x0  }
0x26: {  	s8 =	rddreg [dreg:$0x7];
	[sflag:s15] =	ssyncadd.s32 $0xFFFFF800  }
0x27: {  	[spmem:s19], [sflag:s18] =	dma.local [hbm:s8], $0x500  }
0x28: {  	_ =	swait.ge [sflag:s15], $0x500  }
0x29: {  	[sflag:s15] =	ssyncset.done $0x0  }
0x2a: {  	s9 =	rddreg [dreg:$0x8];
	[sflag:s15] =	ssyncadd.s32 $0xFFFFFB00  }
0x2b: {  	[spmem:s20], [sflag:s18] =	dma.local [hbm:s9], $0x280  }
0x2c: {  	_ =	swait.ge [sflag:s15], $0x280  }
0x2d: {  	[sflag:s15] =	ssyncset.done $0x0  }
0x2e: {  	[sflag:s15] =	ssyncadd.s32 $0xFFFFFD80  }
0x2f: {  	[spmem:s21], [sflag:s18] =	dma.local [hbm:s11], $0x9C4  }
0x30: {  	_ =	swait.ge [sflag:s15], $0x9C4  }
0x31: {  	[sflag:s15] =	ssyncset.done $0x0  }
0x32: {  	[sflag:s15] =	ssyncadd.s32 $0xFFFFF63C  }
0x33: {  	[bflag:$0x0] =	sbarrier.arrive $0xFFFF  }
0x34: {  	[tilespmem:s23], [sflag:$0x1] =	stream.indirect.gather [spmem:s4], $0x20, s5, s22, $0xb8;
	[tilespmem:$0xDA20] =	vst v63  }
0x35: {  	_ =	swait.ge [sflag:s24], $0x1000  }
0x36: {  	[sflag:s24] =	ssyncset.done $0x0  }
0x37: {  	[sflag:s24] =	ssyncadd.s32 $0xFFFFF000  }
0x38: {  	[tilespmem:s25], [sflag:$0x2] =	stream.indirect.gather [spmem:s4], $0x20, s22, s22, $0xb8;
	[tilespmem:$0xDA20] =	vst v63  }
0x39: {  	_ = 	snop  }
0x3a: {  	[spmem:s1] =	stream.indirect.scatter.add.bf16 [tilespmem:s23], [sflag:$0x3], $0x20, s16, s22, $0xb8;
	[tilespmem:$0xDA20] =	vst v63  }
0x3b: {  	_ = 	snop  }
0x3c: {  	[spmem:s3] =	stream.indirect.scatter.add.f32 [tilespmem:s17], [sflag:$0x5], $0x10, s16, s22, $0xb8;
	[tilespmem:$0xDA20] =	vst v63  }
0x3d: {  	_ =	swait.ge [sflag:s26], $0x1000  }
0x3e: {  	[sflag:s26] =	ssyncset.done $0x0  }
0x3f: {  	[sflag:s26] =	ssyncadd.s32 $0xFFFFF000  }
0x40: {  	_ =	swait.ge [sflag:s28], $0x1000  }
0x41: {  	[sflag:s28] =	ssyncset.done $0x0  }
0x42: {  	s8 =	simm.s32 $0x100;
	[sflag:s28] =	ssyncadd.s32 $0xFFFFF000  }
0x43: {  	[tilespmem:s23], [sflag:$0x1] =	stream.indirect.gather [spmem:s4], $0x20, s8, s22, $0xb8;
	[tilespmem:$0xDA20] =	vst v63  }
0x44: {  	_ = 	snop  }
0x45: {  	[spmem:s1] =	stream.indirect.scatter.add.bf16 [tilespmem:s25], [sflag:$0x4], $0x20, s30, s22, $0xb8;
	[tilespmem:$0xDA20] =	vst v63  }
0x46: {  	_ = 	snop  }
0x47: {  	[spmem:s3] =	stream.indirect.scatter.add.f32 [tilespmem:s17], [sflag:$0x5], $0x10, s30, s22, $0xb8;
	[tilespmem:$0xDA20] =	vst v63  }
0x48: {  	_ =	swait.ge [sflag:s24], $0x1000  }
0x49: {  	[sflag:s24] =	ssyncset.done $0x0  }
0x4a: {  	[sflag:s24] =	ssyncadd.s32 $0xFFFFF000  }
0x4b: {  	_ =	swait.ge [sflag:s31], $0x1000  }
0x4c: {  	[sflag:s31] =	ssyncset.done $0x0  }
0x4d: {  	[sflag:s31] =	ssyncadd.s32 $0xFFFFF000  }
0x4e: {  	_ =	swait.ge [sflag:s2], $0x800  }
0x4f: {  	[sflag:s2] =	ssyncset.done $0x0  }
0x50: {  	[sflag:s2] =	ssyncadd.s32 $0xFFFFF800  }
0x51: {  	_ =	swait.ge [sflag:s2], $0x800  }
0x52: {  	[sflag:s2] =	ssyncset.done $0x0  }
0x53: {  	s9 =	simm.s32 $0x180;
	[sflag:s2] =	ssyncadd.s32 $0xFFFFF800  }
0x54: {  	[tilespmem:s25], [sflag:$0x2] =	stream.indirect.gather [spmem:s4], $0x20, s9, s22, $0xb8;
	[tilespmem:$0xDA20] =	vst v63  }
0x55: {  	s8 =	simm.s32 $0x1500  }
0x56: {  	[spmem:s1] =	stream.indirect.scatter.add.bf16 [tilespmem:s23], [sflag:$0x3], $0x20, s8, s22, $0xb8;
	[tilespmem:$0xDA20] =	vst v63  }
0x57: {  	_ = 	snop  }
0x58: {  	[spmem:s3] =	stream.indirect.scatter.add.f32 [tilespmem:s17], [sflag:$0x5], $0x10, s8, s22, $0xb8;
	[tilespmem:$0xDA20] =	vst v63  }
0x59: {  	_ =	swait.ge [sflag:s26], $0x1000  }
0x5a: {  	[sflag:s26] =	ssyncset.done $0x0  }
0x5b: {  	[sflag:s26] =	ssyncadd.s32 $0xFFFFF000  }
0x5c: {  	_ =	swait.ge [sflag:s28], $0x1000  }
0x5d: {  	[sflag:s28] =	ssyncset.done $0x0  }
0x5e: {  	s9 =	simm.s32 $0x200;
	[sflag:s28] =	ssyncadd.s32 $0xFFFFF000  }
0x5f: {  	[tilespmem:s23], [sflag:$0x1] =	stream.indirect.gather [spmem:s4], $0x20, s9, s22, $0xb8;
	[tilespmem:$0xDA20] =	vst v63  }
0x60: {  	s7 =	simm.s32 $0xFFFFBC00;
	s8 =	simm.s32 $0x1580  }
0x61: {  	[spmem:s1] =	stream.indirect.scatter.add.bf16 [tilespmem:s25], [sflag:$0x4], $0x20, s8, s22, $0xb8;
	[tilespmem:$0xDA20] =	vst v63  }
.LBB2_2:
0x62: {  	[spmem:s3] =	stream.indirect.scatter.add.f32 [tilespmem:s17], [sflag:$0x5], $0x10, s8, s22, $0xb8;
	[tilespmem:$0xDA20] =	vst v63  }
0x63: {  	s8 =	smov.u32 s7  }
0x64: {  	p0 =	sne.s32 s7, $0xFFFFFC00;
	s7 =	sadd.s32 $0x400, s7;
	_ =	swait.ge [sflag:s24], $0x1000  }
0x65: {  	[sflag:s24] =	ssyncset.done $0x0  }
0x66: {  	[sflag:s24] =	ssyncadd.s32 $0xFFFFF000  }
0x67: {  	_ =	swait.ge [sflag:s31], $0x1000  }
0x68: {  	[sflag:s31] =	ssyncset.done $0x0  }
0x69: {  	[sflag:s31] =	ssyncadd.s32 $0xFFFFF000  }
0x6a: {  	_ =	swait.ge [sflag:s2], $0x800  }
0x6b: {  	[sflag:s2] =	ssyncset.done $0x0  }
0x6c: {  	[sflag:s2] =	ssyncadd.s32 $0xFFFFF800  }
0x6d: {  	_ =	swait.ge [sflag:s2], $0x800  }
0x6e: {  	s8 =	sshra.s32 s8, $0x2;
	[sflag:s2] =	ssyncset.done $0x0  }
0x6f: {  	s9 =	sadd.s32 $0x1380, s8;
	[sflag:s2] =	ssyncadd.s32 $0xFFFFF800  }
0x70: {  	[tilespmem:s25], [sflag:$0x2] =	stream.indirect.gather [spmem:s4], $0x20, s9, s22, $0xb8;
	[tilespmem:$0xDA20] =	vst v63  }
0x71: {  	s9 =	sadd.s32 $0x2700, s8  }
0x72: {  	[spmem:s1] =	stream.indirect.scatter.add.bf16 [tilespmem:s23], [sflag:$0x3], $0x20, s9, s22, $0xb8;
	[tilespmem:$0xDA20] =	vst v63  }
0x73: {  	_ = 	snop  }
0x74: {  	[spmem:s3] =	stream.indirect.scatter.add.f32 [tilespmem:s17], [sflag:$0x5], $0x10, s9, s22, $0xb8;
	[tilespmem:$0xDA20] =	vst v63  }
0x75: {  	_ =	swait.ge [sflag:s26], $0x1000  }
0x76: {  	[sflag:s26] =	ssyncset.done $0x0  }
0x77: {  	[sflag:s26] =	ssyncadd.s32 $0xFFFFF000  }
0x78: {  	_ =	swait.ge [sflag:s28], $0x1000  }
.Ltmp0:
0x79: {  	[sflag:s28] =	ssyncset.done $0x0;
	(pc) =	sbr.rel @p0 .LBB2_2-.Ltmp0, $4  }
0x7a: {  	s9 =	sadd.s32 $0x1400, s8;
	[sflag:s28] =	ssyncadd.s32 $0xFFFFF000  }
0x7b: {  	[tilespmem:s23], [sflag:$0x1] =	stream.indirect.gather [spmem:s4], $0x20, s9, s22, $0xb8;
	[tilespmem:$0xDA20] =	vst v63  }
0x7c: {  	s8 =	sadd.s32 $0x2780, s8  }
0x7d: {  	[spmem:s1] =	stream.indirect.scatter.add.bf16 [tilespmem:s25], [sflag:$0x4], $0x20, s8, s22, $0xb8;
	[tilespmem:$0xDA20] =	vst v63  }
0x7e: {  	[spmem:s3] =	stream.indirect.scatter.add.f32 [tilespmem:s17], [sflag:$0x5], $0x10, s8, s22, $0xb8;
	[tilespmem:$0xDA20] =	vst v63  }
0x7f: {  	_ =	swait.ge [sflag:s24], $0x1000  }
0x80: {  	[sflag:s24] =	ssyncset.done $0x0  }
0x81: {  	[sflag:s24] =	ssyncadd.s32 $0xFFFFF000  }
0x82: {  	_ =	swait.ge [sflag:s31], $0x1000  }
0x83: {  	[sflag:s31] =	ssyncset.done $0x0  }
0x84: {  	[sflag:s31] =	ssyncadd.s32 $0xFFFFF000  }
0x85: {  	_ =	swait.ge [sflag:s2], $0x800  }
0x86: {  	[sflag:s2] =	ssyncset.done $0x0  }
0x87: {  	[sflag:s2] =	ssyncadd.s32 $0xFFFFF800  }
0x88: {  	_ =	swait.ge [sflag:s2], $0x800  }
0x89: {  	[sflag:s2] =	ssyncset.done $0x0  }
0x8a: {  	s7 =	simm.s32 $0x1380;
	[sflag:s2] =	ssyncadd.s32 $0xFFFFF800  }
0x8b: {  	[tilespmem:s25], [sflag:$0x2] =	stream.indirect.gather [spmem:s4], $0x20, s7, s22, $0xb8;
	[tilespmem:$0xDA20] =	vst v63  }
0x8c: {  	_ = 	snop  }
0x8d: {  	[spmem:s1] =	stream.indirect.scatter.add.bf16 [tilespmem:s23], [sflag:$0x3], $0x20, s29, s22, $0xb8;
	[tilespmem:$0xDA20] =	vst v63  }
0x8e: {  	_ = 	snop  }
0x8f: {  	[spmem:s3] =	stream.indirect.scatter.add.f32 [tilespmem:s17], [sflag:$0x5], $0x10, s29, s22, $0xb8;
	[tilespmem:$0xDA20] =	vst v63  }
0x90: {  	_ =	swait.ge [sflag:s26], $0x1000  }
0x91: {  	[sflag:s26] =	ssyncset.done $0x0  }
0x92: {  	[sflag:s26] =	ssyncadd.s32 $0xFFFFF000  }
0x93: {  	[spmem:s1] =	stream.indirect.scatter.add.bf16 [tilespmem:s25], [sflag:$0x4], $0x20, s0, s22, $0xb8;
	[tilespmem:$0xDA20] =	vst v63  }
0x94: {  	_ = 	snop  }
0x95: {  	[spmem:s3] =	stream.indirect.scatter.add.f32 [tilespmem:s17], [sflag:$0x5], $0x10, s0, s22, $0xb8;
	[tilespmem:$0xDA20] =	vst v63  }
0x96: {  	_ =	swait.ge [sflag:s28], $0x1000  }
0x97: {  	[sflag:s28] =	ssyncset.done $0x0  }
0x98: {  	[sflag:s28] =	ssyncadd.s32 $0xFFFFF000  }
0x99: {  	_ =	swait.ge [sflag:s31], $0x1000  }
0x9a: {  	[sflag:s31] =	ssyncset.done $0x0  }
0x9b: {  	[sflag:s31] =	ssyncadd.s32 $0xFFFFF000  }
0x9c: {  	_ =	swait.ge [sflag:s2], $0x800  }
0x9d: {  	[sflag:s2] =	ssyncset.done $0x0  }
0x9e: {  	[sflag:s2] =	ssyncadd.s32 $0xFFFFF800  }
0x9f: {  	_ =	swait.ge [sflag:s2], $0x800  }
0xa0: {  	[sflag:s2] =	ssyncset.done $0x0  }
0xa1: {  	[sflag:s2] =	ssyncadd.s32 $0xFFFFF800  }
0xa2: {  	[bflag:$0x0] =	sbarrier.arrive $0xFFFF  }
0xa3: {  	[hbm:s12], [sflag:s18] =	dma.local [spmem:s19], $0x500  }
0xa4: {  	s6 =	sadd.s32 $0x1, s6;
	_ =	swait.ge [sflag:s15], $0x500  }
0xa5: {  	p0 =	sne.s32 s6, s14;
	[sflag:s15] =	ssyncset.done $0x0  }
.Ltmp1:
0xa6: {  	[sflag:s15] =	ssyncadd.s32 $0xFFFFFB00;
	(pc) =	sbr.rel @p0 .LBB2_1-.Ltmp1, $4  }
0xa7: {  	[hbm:s13], [sflag:s18] =	dma.local [spmem:s20], $0x280  }
0xa8: {  	_ =	swait.ge [sflag:s15], $0x280  }
0xa9: {  	[sflag:s15] =	ssyncset.done $0x0  }
0xaa: {  	[sflag:s15] =	ssyncadd.s32 $0xFFFFFD80  }
0xab: {  	_ =	sfence.sel $0x180000  }
0xac: {  	[bflag:$0x0] =	sbarrier.arrive $0xFFFF  }
0xad: {  	_ =	strace $0x90000047  }
0xae: {  	s0 =	stileid.u32;
	[bflag:$0x2] =	sbarrier.arrive $0xFFFF  }
0xaf: {  	p0 =	sne.s32 s0, $0x0;
	s0 =	rddreg [dreg:$0x5]  }
0xb0: {  	s0 =	sadd.s32 @!p0 $0x100000, s0  }
0xb1: {  	[sflag:s0] =	ssyncadd.tile.s32 @!p0 $0x1;
	_ =	shalt  }
.Lfunc_end2:
_tile_overlayer_lowered:
.L_overlay_start_2:
0xb2: {  	(tag) =	ssettag $0x2  }
0xb3: {  	s0 =	rddreg [dreg:$0x0];
	s2 =	stileid.u32  }
0xb4: {  	s1 =	rddreg [dreg:$0x1];
	p0 =	sne.s32 s2, $0x0  }
0xb5: {  	s3 =	rddreg [dreg:$0x2];
	[bflag:$0x3] =	sbarrier.arrive $0xFFFF;
	s2 =	simm.s32 @!p0 $0x1C06  }
0xb6: {  	[timem:s3], [sflag:s2] =	dma.local @!p0 [hbm:s0], s1  }
0xb7: {  	s0 =	simm.s32 @!p0 $0x6  }
0xb8: {  	_ =	swait.ge @!p0 [sflag:s0], s1  }
0xb9: {  	s1 =	ssub.s32 @!p0 $0x0, s1;
	[sflag:s0] =	ssyncset.done @!p0 $0x0  }
0xba: {  	[sflag:s0] =	ssyncadd.s32 @!p0 s1  }
0xbb: {  	[bflag:$0x3] =	sbarrier.arrive $0xFFFF  }
0xbc: {  	_ =	shalt  }

</sc_bundles>
